<compile_context>
chip_gen: v7x
topology: tpu7x:2x2x1
jax: 0.10.2.dev20260603
libtpu: 0.0.44.dev20260713+nightly
codegen_flags: <defaults>
</compile_context>

<pallas_src>
import jax
import jax.numpy as jnp
from jax import lax
from jax.experimental import pallas as pl
from jax.experimental.pallas import tpu as pltpu
from jax.experimental.pallas import tpu_sc as plsc

B = 8
N = 8192
S = 1024
NROW = 64
NCOL = 128
SROW = 8
CIN = 128
COUT = 256


G = 1
GB = B // G


def _fps_body(x0_ref, x1_ref, x2_ref, idx_ref, n0_ref, n1_ref,
              n2_ref, *scratch):
    colv = lax.broadcasted_iota(jnp.int32, (1, NCOL), 1)
    rowio = lax.broadcasted_iota(jnp.int32, (GB, NROW, NCOL), 1)
    ones_mat = jnp.ones((NCOL, NCOL), jnp.float32)
    dists = scratch[0:G]
    for g in range(G):
        dists[g][...] = jnp.full((GB, NROW, NCOL), 1e10, jnp.float32)

    def s1(g, j, fx_g, acc):
        far_g = tuple(fx_g[bl, 0] for bl in range(GB))
        b0 = g * GB
        chunk = j // NCOL
        col = j - chunk * NCOL
        cmaskg = jnp.broadcast_to(colv == col, (GB, NCOL))
        base_row = (lax.broadcasted_iota(jnp.int32, (GB, NCOL), 0) + b0) * N
        ai, a0, a1, a2 = acc

        e0, e1, e2 = [], [], []
        for bl in range(GB):
            f = far_g[bl]
            r = f // NCOL
            c = f - r * NCOL
            lmask = colv == c
            e0.append(jnp.where(lmask, x0_ref[b0 + bl, pl.ds(r, 1), :], 0.0))
            e1.append(jnp.where(lmask, x1_ref[b0 + bl, pl.ds(r, 1), :], 0.0))
            e2.append(jnp.where(lmask, x2_ref[b0 + bl, pl.ds(r, 1), :], 0.0))

        def onehot_dot(es):
            return lax.dot_general(jnp.concatenate(es, axis=0), ones_mat,
                                   (((1,), (0,)), ((), ())),
                                   preferred_element_type=jnp.float32,
                                   precision=lax.Precision.HIGHEST)
        C0 = onehot_dot(e0)
        C1 = onehot_dot(e1)
        C2 = onehot_dot(e2)

        ai = jnp.where(cmaskg, jnp.broadcast_to(fx_g, (GB, NCOL))
                       + base_row, ai)
        a0 = jnp.where(cmaskg, C0, a0)
        a1 = jnp.where(cmaskg, C1, a1)
        a2 = jnp.where(cmaskg, C2, a2)
        new_acc = (ai, a0, a1, a2)

        def store_acc():
            for bl in range(GB):
                idx_ref[b0 + bl, pl.ds(chunk, 1), :] = ai[bl:bl + 1, :]
                n0_ref[b0 + bl, pl.ds(chunk, 1), :] = a0[bl:bl + 1, :]
                n1_ref[b0 + bl, pl.ds(chunk, 1), :] = a1[bl:bl + 1, :]
                n2_ref[b0 + bl, pl.ds(chunk, 1), :] = a2[bl:bl + 1, :]

        shp = (GB, NROW, NCOL)
        d0 = x0_ref[b0:b0 + GB] - jnp.broadcast_to(C0[:, None, :], shp)
        d1 = x1_ref[b0:b0 + GB] - jnp.broadcast_to(C1[:, None, :], shp)
        d2 = x2_ref[b0:b0 + GB] - jnp.broadcast_to(C2[:, None, :], shp)
        d = (d0 * d0 + d1 * d1) + d2 * d2
        dmin = jnp.minimum(dists[g][...], d)
        dists[g][...] = dmin

        m8 = jnp.max(dmin, axis=1)
        m8b = jnp.broadcast_to(m8[:, None, :], shp)
        selr = jnp.where(dmin == m8b, rowio, jnp.int32(2 ** 30))
        rmin8 = jnp.min(selr, axis=1)
        return m8, rmin8, new_acc, store_acc

    def s2(m8, rmin8):
        mx = jnp.max(m8, axis=1, keepdims=True)
        candf = (rmin8 * NCOL +
                 lax.broadcasted_iota(jnp.int32, (GB, NCOL), 1)
                 ).astype(jnp.float32)
        return jnp.where(m8 == jnp.broadcast_to(mx, (GB, NCOL)), candf,
                         jnp.float32(2 ** 30))

    def s3(candf):
        return jnp.min(candf, axis=1, keepdims=True).astype(jnp.int32)

    fx0 = jnp.zeros((GB, 1), jnp.int32)
    zacc = (jnp.zeros((GB, NCOL), jnp.int32),
            jnp.zeros((GB, NCOL), jnp.float32),
            jnp.zeros((GB, NCOL), jnp.float32),
            jnp.zeros((GB, NCOL), jnp.float32))
    m8a0, rmin8a0, acc_a, st0 = s1(0, 0, fx0, zacc)
    st0()
    fx_a = s3(s2(m8a0, rmin8a0))

    def body(k, carry):
        fx_a, acc_a = carry
        m8a, rmin8a, acc_a, store_acc = s1(0, k + 1, fx_a, acc_a)
        store_acc()
        cand_a = s2(m8a, rmin8a)
        new_fx_a = s3(cand_a)
        return new_fx_a, acc_a

    lax.fori_loop(0, S - 1, body, (fx_a, acc_a), unroll=False)


def _fps_pallas(x0, x1, x2, interpret=False):
    out_shape = [
        jax.ShapeDtypeStruct((B, SROW, NCOL), jnp.int32),
        jax.ShapeDtypeStruct((B, SROW, NCOL), jnp.float32),
        jax.ShapeDtypeStruct((B, SROW, NCOL), jnp.float32),
        jax.ShapeDtypeStruct((B, SROW, NCOL), jnp.float32),
    ]
    scratch = []
    for g in range(G):
        scratch.append(pltpu.VMEM((GB, NROW, NCOL), jnp.float32))
    return pl.pallas_call(
        _fps_body,
        out_shape=out_shape,
        scratch_shapes=scratch,
        interpret=interpret,
    )(x0, x1, x2)


def _mm_body(g_ref, w_ref, bias_ref, out_ref):
    for b in range(B):
        out_ref[b] = lax.dot_general(
            w_ref[...], g_ref[b], (((1,), (1,)), ((), ())),
            preferred_element_type=jnp.float32,
            precision=lax.Precision.HIGHEST) + bias_ref[...]


def _mm_pallas(g, w, bias, interpret=False):
    return pl.pallas_call(
        _mm_body,
        out_shape=jax.ShapeDtypeStruct((B, COUT, S), jnp.float32),
        interpret=interpret,
    )(g, w, bias)


_BPW = (B * S) // 32
_IDX_ROWS = _BPW // NCOL


def _sc_gather_body(table_ref, idx_ref, out_ref, idx_v, rows_v, sem):
    wid = lax.axis_index("s") * 2 + lax.axis_index("c")
    pltpu.sync_copy(idx_ref.at[pl.ds(wid * _IDX_ROWS, _IDX_ROWS)], idx_v)
    for j in range(_IDX_ROWS):
        pltpu.async_copy(table_ref.at[idx_v.at[j]],
                         rows_v.at[pl.ds(j * NCOL, NCOL)], sem).wait()
    pltpu.sync_copy(rows_v, out_ref.at[pl.ds(wid * _BPW, _BPW)])


def _sc_gather(table, idx2d):
    mesh = plsc.VectorSubcoreMesh(core_axis_name="c", subcore_axis_name="s")
    kern = pl.kernel(
        _sc_gather_body,
        mesh=mesh,
        out_type=jax.ShapeDtypeStruct((B * S, CIN), jnp.float32),
        scratch_types=[
            pltpu.VMEM((_IDX_ROWS, NCOL), jnp.int32),
            pltpu.VMEM((_BPW, CIN), jnp.float32),
            pltpu.SemaphoreType.DMA,
        ],
    )
    return kern(table, idx2d)


def kernel(xyz, x, W, b):
    x0 = xyz[:, :, 0].reshape(B, NROW, NCOL)
    x1 = xyz[:, :, 1].reshape(B, NROW, NCOL)
    x2 = xyz[:, :, 2].reshape(B, NROW, NCOL)
    idx, n0, n1, n2 = _fps_pallas(x0, x1, x2)
    new_xyz = jnp.stack([n0.reshape(B, S), n1.reshape(B, S),
                         n2.reshape(B, S)], axis=-1)
    table = jnp.transpose(x, (0, 2, 1)).reshape(B * N, CIN)
    g = _sc_gather(table, idx.reshape((B * S) // NCOL, NCOL))
    new_x = _mm_pallas(g.reshape(B, S, CIN), W, b.reshape(COUT, 1))
    return (new_xyz, new_x)

# --- scband reference (transcript-rebuilt; emitter-appended) ---
"""Pipeline reference for scband-down-sampler-31473520345760 (READ-ONLY COPY).

The authoritative reference and input builder live on the scoring server;
editing this copy changes nothing except your own understanding.
"""

import jax, jax.numpy as jnp
import numpy as np

OUT_POINTS = 1024

def setup_inputs(seed: int = 0) -> dict:
    key = jax.random.key(seed)
    k1, k2, k3, k4 = jax.random.split(key, 4)
    xyz = jax.random.uniform(k1, (8, 8192, 3), dtype=jnp.float32)
    x = jax.random.normal(k2, (8, 128, 8192), dtype=jnp.float32)
    W = jax.random.normal(k3, (256, 128), dtype=jnp.float32) * (1.0 / np.sqrt(128.0))
    b = jax.random.normal(k4, (256,), dtype=jnp.float32) * 0.01
    return {"xyz": xyz, "x": x, "W": W, "b": b}

def _fps(xyz, npoint):
    # furthest point sampling (pointnet2_utils.furthest_point_sample), start at index 0
    B, N, _ = xyz.shape
    def body(i, state):
        dists, farthest, idx = state
        idx = idx.at[:, i].set(farthest)
        centroid = jnp.take_along_axis(xyz, farthest[:, None, None].astype(jnp.int32), axis=1)  # [B,1,3]
        d = jnp.sum((xyz - centroid) ** 2, axis=-1)  # [B,N]
        dists = jnp.minimum(dists, d)
        farthest = jnp.argmax(dists, axis=-1).astype(jnp.int32)
        return (dists, farthest, idx)
    dists0 = jnp.full((B, N), 1e10, dtype=xyz.dtype)
    farthest0 = jnp.zeros((B,), dtype=jnp.int32)
    idx0 = jnp.zeros((B, npoint), dtype=jnp.int32)
    _, _, idx = jax.lax.fori_loop(0, npoint, body, (dists0, farthest0, idx0))
    return idx

def _index_points(points, idx):
    # points: [B,N,C], idx: [B,S] -> [B,S,C]
    return jnp.take_along_axis(points, idx[:, :, None], axis=1)

def reference(xyz, x, W, b):
    idx = _fps(jax.lax.stop_gradient(xyz), OUT_POINTS)  # fps is non-differentiable custom op in torch
    new_xyz = _index_points(xyz, idx)  # [B,S,3]
    gathered = _index_points(jnp.transpose(x, (0, 2, 1)), idx)  # [B,S,Cin]
    feat = jnp.transpose(gathered, (0, 2, 1))  # [B,Cin,S]
    new_x = jnp.einsum('oc,bcs->bos', W, feat) + b[None, :, None]  # Conv1d kernel-size 1
    return (new_xyz, new_x)

if __name__ == "__main__":
    import jax
    _d = setup_inputs()
    print(jax.jit(kernel)(*tuple(_d.values())))

</pallas_src>

<mosaic_0001>
#map = affine_map<(d0, d1) -> (0, 0)>
module attributes {stable_mosaic.version = 14 : i64} {
  func.func @_sc_gather_body(%arg0: i32, %arg1: i32, %arg2: memref<65536x128xf32, #tpu.memory_space<hbm>>, %arg3: memref<64x128xi32, #tpu.memory_space<hbm>>, %arg4: memref<8192x128xf32, #tpu.memory_space<hbm>>, %arg5: memref<2x128xi32, #tpu.memory_space<vmem>>, %arg6: memref<256x128xf32, #tpu.memory_space<vmem>>, %arg7: memref<!tpu.dma_semaphore, #tpu.memory_space<semaphore_mem>>) attributes {dimension_semantics = [#tpu.dimension_semantics<core_parallel>, #tpu.dimension_semantics<subcore_parallel>], iteration_bounds = array<i64: 2, 16>, scalar_prefetch = 0 : i64, scratch_operands = 3 : i64, tpu.core_type = #tpu.core_type<sc_vector_subcore>, window_params = [{transform_indices = #map}, {transform_indices = #map}, {transform_indices = #map}]} {
    %mul3A = arith.constant 2 : i32
    %mul3A_0 = arith.muli %arg1, %mul3A : i32
    %add3A = arith.addi %mul3A_0, %arg0 : i32
    %mul3A_1 = arith.constant 2 : i32
    %mul3A_2 = arith.muli %add3A, %mul3A_1 : i32
    "tpu.region"() ({
      %run_scoped3A = tpu.sem_alloc : memref<!tpu.dma_semaphore, #tpu.memory_space<semaphore_mem>>
      %dma_start3A_43 = arith.constant 0 : i32
      %dma_start3A_44 = tpu.memref_slice %arg3[%mul3A_2, %dma_start3A_43] : memref<64x128xi32, #tpu.memory_space<hbm>> -> memref<2x128xi32, #tpu.memory_space<hbm>>
      %dma_start3A_45 = arith.constant 0 : i32
      %dma_start3A_46 = tpu.memref_slice %arg3[%mul3A_2, %dma_start3A_45] : memref<64x128xi32, #tpu.memory_space<hbm>> -> memref<2x128xi32, #tpu.memory_space<hbm>>
      tpu.enqueue_dma source(%dma_start3A_46 : memref<2x128xi32, #tpu.memory_space<hbm>>) target(%arg5 : memref<2x128xi32, #tpu.memory_space<vmem>>) target_semaphore(%run_scoped3A : memref<!tpu.dma_semaphore, #tpu.memory_space<semaphore_mem>>)
      %dma_wait3A_47 = arith.constant 0 : i32
      %dma_wait3A_48 = tpu.memref_slice %arg3[%mul3A_2, %dma_wait3A_47] : memref<64x128xi32, #tpu.memory_space<hbm>> -> memref<2x128xi32, #tpu.memory_space<hbm>>
      %dma_wait3A_49 = arith.constant 0 : i32
      %dma_wait3A_50 = tpu.memref_slice %arg3[%mul3A_2, %dma_wait3A_49] : memref<64x128xi32, #tpu.memory_space<hbm>> -> memref<2x128xi32, #tpu.memory_space<hbm>>
      tpu.wait_dma2 semaphore(%run_scoped3A : memref<!tpu.dma_semaphore, #tpu.memory_space<semaphore_mem>>) src(%dma_wait3A_50 : memref<2x128xi32, #tpu.memory_space<hbm>>) dst(%arg5 : memref<2x128xi32, #tpu.memory_space<vmem>>)
      tpu.yield
    }) : () -> ()
    %dma_start3A = arith.constant 0 : i32
    %dma_start3A_3 = arith.constant 0 : i32
    %dma_start3A_4 = arith.constant 0 : i32
    %dma_start3A_5 = tpu.memref_slice %arg6[%dma_start3A_3, %dma_start3A_4] : memref<256x128xf32, #tpu.memory_space<vmem>> -> memref<128x128xf32, #tpu.memory_space<vmem>>
    %dma_start3A_6 = arith.constant 0 : i32
    %dma_start3A_7 = tpu.memref_slice %arg5[%dma_start3A, %dma_start3A_6] : memref<2x128xi32, #tpu.memory_space<vmem>> -> memref<1x128xi32, #tpu.memory_space<vmem>>
    %dma_start3A_8 = tpu.memref_squeeze %dma_start3A_7 : memref<1x128xi32, #tpu.memory_space<vmem>> -> memref<128xi32, #tpu.memory_space<vmem>>
    %dma_start3A_9 = arith.constant 0 : i32
    %dma_start3A_10 = arith.constant 0 : i32
    %dma_start3A_11 = tpu.memref_slice %arg2[%dma_start3A_9, %dma_start3A_10] : memref<65536x128xf32, #tpu.memory_space<hbm>> -> memref<65536x128xf32, #tpu.memory_space<hbm>>
    tpu.enqueue_indirect_dma source(%dma_start3A_11 : memref<65536x128xf32, #tpu.memory_space<hbm>>) target(%dma_start3A_5 : memref<128x128xf32, #tpu.memory_space<vmem>>) offsets(%dma_start3A_8 : memref<128xi32, #tpu.memory_space<vmem>>) semaphore(%arg7 : memref<!tpu.dma_semaphore, #tpu.memory_space<semaphore_mem>>)
    %dma_wait3A = arith.constant 0 : i32
    %dma_wait3A_12 = arith.constant 0 : i32
    %dma_wait3A_13 = arith.constant 0 : i32
    %dma_wait3A_14 = tpu.memref_slice %arg6[%dma_wait3A_12, %dma_wait3A_13] : memref<256x128xf32, #tpu.memory_space<vmem>> -> memref<128x128xf32, #tpu.memory_space<vmem>>
    %dma_wait3A_15 = arith.constant 0 : i32
    %dma_wait3A_16 = tpu.memref_slice %arg5[%dma_wait3A, %dma_wait3A_15] : memref<2x128xi32, #tpu.memory_space<vmem>> -> memref<1x128xi32, #tpu.memory_space<vmem>>
    %dma_wait3A_17 = tpu.memref_squeeze %dma_wait3A_16 : memref<1x128xi32, #tpu.memory_space<vmem>> -> memref<128xi32, #tpu.memory_space<vmem>>
    %dma_wait3A_18 = arith.constant 0 : i32
    %dma_wait3A_19 = arith.constant 0 : i32
    %dma_wait3A_20 = tpu.memref_slice %arg2[%dma_wait3A_18, %dma_wait3A_19] : memref<65536x128xf32, #tpu.memory_space<hbm>> -> memref<65536x128xf32, #tpu.memory_space<hbm>>
    tpu.wait_indirect_dma semaphore(%arg7 : memref<!tpu.dma_semaphore, #tpu.memory_space<semaphore_mem>>) src(%dma_wait3A_20 : memref<65536x128xf32, #tpu.memory_space<hbm>>) dst(%dma_wait3A_14 : memref<128x128xf32, #tpu.memory_space<vmem>>)
    %dma_start3A_21 = arith.constant 1 : i32
    %dma_start3A_22 = arith.constant 128 : i32
    %dma_start3A_23 = arith.constant 0 : i32
    %dma_start3A_24 = tpu.memref_slice %arg6[%dma_start3A_22, %dma_start3A_23] : memref<256x128xf32, #tpu.memory_space<vmem>> -> memref<128x128xf32, #tpu.memory_space<vmem>>
    %dma_start3A_25 = arith.constant 0 : i32
    %dma_start3A_26 = tpu.memref_slice %arg5[%dma_start3A_21, %dma_start3A_25] : memref<2x128xi32, #tpu.memory_space<vmem>> -> memref<1x128xi32, #tpu.memory_space<vmem>>
    %dma_start3A_27 = tpu.memref_squeeze %dma_start3A_26 : memref<1x128xi32, #tpu.memory_space<vmem>> -> memref<128xi32, #tpu.memory_space<vmem>>
    %dma_start3A_28 = arith.constant 0 : i32
    %dma_start3A_29 = arith.constant 0 : i32
    %dma_start3A_30 = tpu.memref_slice %arg2[%dma_start3A_28, %dma_start3A_29] : memref<65536x128xf32, #tpu.memory_space<hbm>> -> memref<65536x128xf32, #tpu.memory_space<hbm>>
    tpu.enqueue_indirect_dma source(%dma_start3A_30 : memref<65536x128xf32, #tpu.memory_space<hbm>>) target(%dma_start3A_24 : memref<128x128xf32, #tpu.memory_space<vmem>>) offsets(%dma_start3A_27 : memref<128xi32, #tpu.memory_space<vmem>>) semaphore(%arg7 : memref<!tpu.dma_semaphore, #tpu.memory_space<semaphore_mem>>)
    %dma_wait3A_31 = arith.constant 1 : i32
    %dma_wait3A_32 = arith.constant 128 : i32
    %dma_wait3A_33 = arith.constant 0 : i32
    %dma_wait3A_34 = tpu.memref_slice %arg6[%dma_wait3A_32, %dma_wait3A_33] : memref<256x128xf32, #tpu.memory_space<vmem>> -> memref<128x128xf32, #tpu.memory_space<vmem>>
    %dma_wait3A_35 = arith.constant 0 : i32
    %dma_wait3A_36 = tpu.memref_slice %arg5[%dma_wait3A_31, %dma_wait3A_35] : memref<2x128xi32, #tpu.memory_space<vmem>> -> memref<1x128xi32, #tpu.memory_space<vmem>>
    %dma_wait3A_37 = tpu.memref_squeeze %dma_wait3A_36 : memref<1x128xi32, #tpu.memory_space<vmem>> -> memref<128xi32, #tpu.memory_space<vmem>>
    %dma_wait3A_38 = arith.constant 0 : i32
    %dma_wait3A_39 = arith.constant 0 : i32
    %dma_wait3A_40 = tpu.memref_slice %arg2[%dma_wait3A_38, %dma_wait3A_39] : memref<65536x128xf32, #tpu.memory_space<hbm>> -> memref<65536x128xf32, #tpu.memory_space<hbm>>
    tpu.wait_indirect_dma semaphore(%arg7 : memref<!tpu.dma_semaphore, #tpu.memory_space<semaphore_mem>>) src(%dma_wait3A_40 : memref<65536x128xf32, #tpu.memory_space<hbm>>) dst(%dma_wait3A_34 : memref<128x128xf32, #tpu.memory_space<vmem>>)
    %mul3A_41 = arith.constant 256 : i32
    %mul3A_42 = arith.muli %add3A, %mul3A_41 : i32
    "tpu.region"() ({
      %run_scoped3A = tpu.sem_alloc : memref<!tpu.dma_semaphore, #tpu.memory_space<semaphore_mem>>
      %dma_start3A_43 = arith.constant 0 : i32
      %dma_start3A_44 = tpu.memref_slice %arg4[%mul3A_42, %dma_start3A_43] : memref<8192x128xf32, #tpu.memory_space<hbm>> -> memref<256x128xf32, #tpu.memory_space<hbm>>
      %dma_start3A_45 = arith.constant 0 : i32
      %dma_start3A_46 = tpu.memref_slice %arg4[%mul3A_42, %dma_start3A_45] : memref<8192x128xf32, #tpu.memory_space<hbm>> -> memref<256x128xf32, #tpu.memory_space<hbm>>
      tpu.enqueue_dma source(%arg6 : memref<256x128xf32, #tpu.memory_space<vmem>>) target(%dma_start3A_46 : memref<256x128xf32, #tpu.memory_space<hbm>>) target_semaphore(%run_scoped3A : memref<!tpu.dma_semaphore, #tpu.memory_space<semaphore_mem>>)
      %dma_wait3A_47 = arith.constant 0 : i32
      %dma_wait3A_48 = tpu.memref_slice %arg4[%mul3A_42, %dma_wait3A_47] : memref<8192x128xf32, #tpu.memory_space<hbm>> -> memref<256x128xf32, #tpu.memory_space<hbm>>
      %dma_wait3A_49 = arith.constant 0 : i32
      %dma_wait3A_50 = tpu.memref_slice %arg4[%mul3A_42, %dma_wait3A_49] : memref<8192x128xf32, #tpu.memory_space<hbm>> -> memref<256x128xf32, #tpu.memory_space<hbm>>
      tpu.wait_dma2 semaphore(%run_scoped3A : memref<!tpu.dma_semaphore, #tpu.memory_space<semaphore_mem>>) src(%arg6 : memref<256x128xf32, #tpu.memory_space<vmem>>) dst(%dma_wait3A_50 : memref<256x128xf32, #tpu.memory_space<hbm>>)
      tpu.yield
    }) : () -> ()
    return
  }
}

module attributes {stable_mosaic.version = 14 : i64} {
  func.func @_mm_body(%arg0: memref<8x1024x128xf32, #tpu.memory_space<vmem>>, %arg1: memref<256x128xf32, #tpu.memory_space<vmem>>, %arg2: memref<256x1xf32, #tpu.memory_space<vmem>>, %arg3: memref<8x256x1024xf32, #tpu.memory_space<vmem>>) attributes {dimension_semantics = [], scalar_prefetch = 0 : i64, scratch_operands = 0 : i64, tpu.core_type = #tpu.core_type<tc>} {
    %get3A = arith.constant 0 : index
    %get3A_0 = arith.constant 0 : index
    %get3A_1 = vector.load %arg1[%get3A, %get3A_0] : memref<256x128xf32, #tpu.memory_space<vmem>>, vector<256x128xf32>
    %get3A_2 = arith.constant 0 : index
    %get3A_3 = arith.constant 0 : index
    %get3A_4 = arith.constant 0 : index
    %get3A_5 = vector.load %arg0[%get3A_2, %get3A_3, %get3A_4] : memref<8x1024x128xf32, #tpu.memory_space<vmem>>, vector<1x1024x128xf32>
    %get3A_6 = vector.shape_cast %get3A_5 : vector<1x1024x128xf32> to vector<1024x128xf32>
    %dot_general3A = arith.constant dense<0.000000e+00> : vector<256x1024xf32>
    %dot_general3A_7 = tpu.matmul %get3A_1, %get3A_6, %dot_general3A {dimension_numbers = #tpu.dot_dimension_numbers<[1], [1], [0], [0], [0, 0, 1, 0], [], []>, precision = #tpu.contract_precision<fp32>, transpose_lhs_hint = false} : vector<256x128xf32>, vector<1024x128xf32>, vector<256x1024xf32> -> vector<256x1024xf32>
    %get3A_8 = arith.constant 0 : index
    %get3A_9 = arith.constant 0 : index
    %get3A_10 = vector.load %arg2[%get3A_8, %get3A_9] : memref<256x1xf32, #tpu.memory_space<vmem>>, vector<256x1xf32>
    %add3A = vector.broadcast %get3A_10 : vector<256x1xf32> to vector<256x1024xf32>
    %add3A_11 = arith.addf %dot_general3A_7, %add3A : vector<256x1024xf32>
    %swap3A = arith.constant 0 : index
    %swap3A_12 = arith.constant 0 : index
    %swap3A_13 = arith.constant 0 : index
    %swap3A_14 = vector.load %arg3[%swap3A, %swap3A_12, %swap3A_13] : memref<8x256x1024xf32, #tpu.memory_space<vmem>>, vector<1x256x1024xf32>
    %swap3A_15 = vector.shape_cast %swap3A_14 : vector<1x256x1024xf32> to vector<256x1024xf32>
    %swap3A_16 = vector.shape_cast %add3A_11 : vector<256x1024xf32> to vector<1x256x1024xf32>
    tpu.vector_store %arg3[%swap3A, %swap3A_12, %swap3A_13], %swap3A_16 {strides = array<i32>} : memref<8x256x1024xf32, #tpu.memory_space<vmem>>, vector<1x256x1024xf32>,
    %get3A_17 = arith.constant 0 : index
    %get3A_18 = arith.constant 0 : index
    %get3A_19 = vector.load %arg1[%get3A_17, %get3A_18] : memref<256x128xf32, #tpu.memory_space<vmem>>, vector<256x128xf32>
    %get3A_20 = arith.constant 1 : index
    %get3A_21 = arith.constant 0 : index
    %get3A_22 = arith.constant 0 : index
    %get3A_23 = vector.load %arg0[%get3A_20, %get3A_21, %get3A_22] : memref<8x1024x128xf32, #tpu.memory_space<vmem>>, vector<1x1024x128xf32>
    %get3A_24 = vector.shape_cast %get3A_23 : vector<1x1024x128xf32> to vector<1024x128xf32>
    %dot_general3A_25 = arith.constant dense<0.000000e+00> : vector<256x1024xf32>
    %dot_general3A_26 = tpu.matmul %get3A_19, %get3A_24, %dot_general3A_25 {dimension_numbers = #tpu.dot_dimension_numbers<[1], [1], [0], [0], [0, 0, 1, 0], [], []>, precision = #tpu.contract_precision<fp32>, transpose_lhs_hint = false} : vector<256x128xf32>, vector<1024x128xf32>, vector<256x1024xf32> -> vector<256x1024xf32>
    %get3A_27 = arith.constant 0 : index
    %get3A_28 = arith.constant 0 : index
    %get3A_29 = vector.load %arg2[%get3A_27, %get3A_28] : memref<256x1xf32, #tpu.memory_space<vmem>>, vector<256x1xf32>
    %add3A_30 = vector.broadcast %get3A_29 : vector<256x1xf32> to vector<256x1024xf32>
    %add3A_31 = arith.addf %dot_general3A_26, %add3A_30 : vector<256x1024xf32>
    %swap3A_32 = arith.constant 1 : index
    %swap3A_33 = arith.constant 0 : index
    %swap3A_34 = arith.constant 0 : index
    %swap3A_35 = vector.load %arg3[%swap3A_32, %swap3A_33, %swap3A_34] : memref<8x256x1024xf32, #tpu.memory_space<vmem>>, vector<1x256x1024xf32>
    %swap3A_36 = vector.shape_cast %swap3A_35 : vector<1x256x1024xf32> to vector<256x1024xf32>
    %swap3A_37 = vector.shape_cast %add3A_31 : vector<256x1024xf32> to vector<1x256x1024xf32>
    tpu.vector_store %arg3[%swap3A_32, %swap3A_33, %swap3A_34], %swap3A_37 {strides = array<i32>} : memref<8x256x1024xf32, #tpu.memory_space<vmem>>, vector<1x256x1024xf32>,
    %get3A_38 = arith.constant 0 : index
    %get3A_39 = arith.constant 0 : index
    %get3A_40 = vector.load %arg1[%get3A_38, %get3A_39] : memref<256x128xf32, #tpu.memory_space<vmem>>, vector<256x128xf32>
    %get3A_41 = arith.constant 2 : index
    %get3A_42 = arith.constant 0 : index
    %get3A_43 = arith.constant 0 : index
    %get3A_44 = vector.load %arg0[%get3A_41, %get3A_42, %get3A_43] : memref<8x1024x128xf32, #tpu.memory_space<vmem>>, vector<1x1024x128xf32>
    %get3A_45 = vector.shape_cast %get3A_44 : vector<1x1024x128xf32> to vector<1024x128xf32>
    %dot_general3A_46 = arith.constant dense<0.000000e+00> : vector<256x1024xf32>
    %dot_general3A_47 = tpu.matmul %get3A_40, %get3A_45, %dot_general3A_46 {dimension_numbers = #tpu.dot_dimension_numbers<[1], [1], [0], [0], [0, 0, 1, 0], [], []>, precision = #tpu.contract_precision<fp32>, transpose_lhs_hint = false} : vector<256x128xf32>, vector<1024x128xf32>, vector<256x1024xf32> -> vector<256x1024xf32>
    %get3A_48 = arith.constant 0 : index
    %get3A_49 = arith.constant 0 : index
    %get3A_50 = vector.load %arg2[%get3A_48, %get3A_49] : memref<256x1xf32, #tpu.memory_space<vmem>>, vector<256x1xf32>
    %add3A_51 = vector.broadcast %get3A_50 : vector<256x1xf32> to vector<256x1024xf32>
    %add3A_52 = arith.addf %dot_general3A_47, %add3A_51 : vector<256x1024xf32>
    %swap3A_53 = arith.constant 2 : index
    %swap3A_54 = arith.constant 0 : index
    %swap3A_55 = arith.constant 0 : index
    %swap3A_56 = vector.load %arg3[%swap3A_53, %swap3A_54, %swap3A_55] : memref<8x256x1024xf32, #tpu.memory_space<vmem>>, vector<1x256x1024xf32>
    %swap3A_57 = vector.shape_cast %swap3A_56 : vector<1x256x1024xf32> to vector<256x1024xf32>
    %swap3A_58 = vector.shape_cast %add3A_52 : vector<256x1024xf32> to vector<1x256x1024xf32>
    tpu.vector_store %arg3[%swap3A_53, %swap3A_54, %swap3A_55], %swap3A_58 {strides = array<i32>} : memref<8x256x1024xf32, #tpu.memory_space<vmem>>, vector<1x256x1024xf32>,
    %get3A_59 = arith.constant 0 : index
    %get3A_60 = arith.constant 0 : index
    %get3A_61 = vector.load %arg1[%get3A_59, %get3A_60] : memref<256x128xf32, #tpu.memory_space<vmem>>, vector<256x128xf32>
    %get3A_62 = arith.constant 3 : index
    %get3A_63 = arith.constant 0 : index
    %get3A_64 = arith.constant 0 : index
    %get3A_65 = vector.load %arg0[%get3A_62, %get3A_63, %get3A_64] : memref<8x1024x128xf32, #tpu.memory_space<vmem>>, vector<1x1024x128xf32>
    %get3A_66 = vector.shape_cast %get3A_65 : vector<1x1024x128xf32> to vector<1024x128xf32>
    %dot_general3A_67 = arith.constant dense<0.000000e+00> : vector<256x1024xf32>
    %dot_general3A_68 = tpu.matmul %get3A_61, %get3A_66, %dot_general3A_67 {dimension_numbers = #tpu.dot_dimension_numbers<[1], [1], [0], [0], [0, 0, 1, 0], [], []>, precision = #tpu.contract_precision<fp32>, transpose_lhs_hint = false} : vector<256x128xf32>, vector<1024x128xf32>, vector<256x1024xf32> -> vector<256x1024xf32>
    %get3A_69 = arith.constant 0 : index
    %get3A_70 = arith.constant 0 : index
    %get3A_71 = vector.load %arg2[%get3A_69, %get3A_70] : memref<256x1xf32, #tpu.memory_space<vmem>>, vector<256x1xf32>
    %add3A_72 = vector.broadcast %get3A_71 : vector<256x1xf32> to vector<256x1024xf32>
    %add3A_73 = arith.addf %dot_general3A_68, %add3A_72 : vector<256x1024xf32>
    %swap3A_74 = arith.constant 3 : index
    %swap3A_75 = arith.constant 0 : index
    %swap3A_76 = arith.constant 0 : index
    %swap3A_77 = vector.load %arg3[%swap3A_74, %swap3A_75, %swap3A_76] : memref<8x256x1024xf32, #tpu.memory_space<vmem>>, vector<1x256x1024xf32>
    %swap3A_78 = vector.shape_cast %swap3A_77 : vector<1x256x1024xf32> to vector<256x1024xf32>
    %swap3A_79 = vector.shape_cast %add3A_73 : vector<256x1024xf32> to vector<1x256x1024xf32>
    tpu.vector_store %arg3[%swap3A_74, %swap3A_75, %swap3A_76], %swap3A_79 {strides = array<i32>} : memref<8x256x1024xf32, #tpu.memory_space<vmem>>, vector<1x256x1024xf32>,
    %get3A_80 = arith.constant 0 : index
    %get3A_81 = arith.constant 0 : index
    %get3A_82 = vector.load %arg1[%get3A_80, %get3A_81] : memref<256x128xf32, #tpu.memory_space<vmem>>, vector<256x128xf32>
    %get3A_83 = arith.constant 4 : index
    %get3A_84 = arith.constant 0 : index
    %get3A_85 = arith.constant 0 : index
    %get3A_86 = vector.load %arg0[%get3A_83, %get3A_84, %get3A_85] : memref<8x1024x128xf32, #tpu.memory_space<vmem>>, vector<1x1024x128xf32>
    %get3A_87 = vector.shape_cast %get3A_86 : vector<1x1024x128xf32> to vector<1024x128xf32>
    %dot_general3A_88 = arith.constant dense<0.000000e+00> : vector<256x1024xf32>
    %dot_general3A_89 = tpu.matmul %get3A_82, %get3A_87, %dot_general3A_88 {dimension_numbers = #tpu.dot_dimension_numbers<[1], [1], [0], [0], [0, 0, 1, 0], [], []>, precision = #tpu.contract_precision<fp32>, transpose_lhs_hint = false} : vector<256x128xf32>, vector<1024x128xf32>, vector<256x1024xf32> -> vector<256x1024xf32>
    %get3A_90 = arith.constant 0 : index
    %get3A_91 = arith.constant 0 : index
    %get3A_92 = vector.load %arg2[%get3A_90, %get3A_91] : memref<256x1xf32, #tpu.memory_space<vmem>>, vector<256x1xf32>
    %add3A_93 = vector.broadcast %get3A_92 : vector<256x1xf32> to vector<256x1024xf32>
    %add3A_94 = arith.addf %dot_general3A_89, %add3A_93 : vector<256x1024xf32>
    %swap3A_95 = arith.constant 4 : index
    %swap3A_96 = arith.constant 0 : index
    %swap3A_97 = arith.constant 0 : index
    %swap3A_98 = vector.load %arg3[%swap3A_95, %swap3A_96, %swap3A_97] : memref<8x256x1024xf32, #tpu.memory_space<vmem>>, vector<1x256x1024xf32>
    %swap3A_99 = vector.shape_cast %swap3A_98 : vector<1x256x1024xf32> to vector<256x1024xf32>
    %swap3A_100 = vector.shape_cast %add3A_94 : vector<256x1024xf32> to vector<1x256x1024xf32>
    tpu.vector_store %arg3[%swap3A_95, %swap3A_96, %swap3A_97], %swap3A_100 {strides = array<i32>} : memref<8x256x1024xf32, #tpu.memory_space<vmem>>, vector<1x256x1024xf32>,
    %get3A_101 = arith.constant 0 : index
    %get3A_102 = arith.constant 0 : index
    %get3A_103 = vector.load %arg1[%get3A_101, %get3A_102] : memref<256x128xf32, #tpu.memory_space<vmem>>, vector<256x128xf32>
    %get3A_104 = arith.constant 5 : index
    %get3A_105 = arith.constant 0 : index
    %get3A_106 = arith.constant 0 : index
    %get3A_107 = vector.load %arg0[%get3A_104, %get3A_105, %get3A_106] : memref<8x1024x128xf32, #tpu.memory_space<vmem>>, vector<1x1024x128xf32>
    %get3A_108 = vector.shape_cast %get3A_107 : vector<1x1024x128xf32> to vector<1024x128xf32>
    %dot_general3A_109 = arith.constant dense<0.000000e+00> : vector<256x1024xf32>
    %dot_general3A_110 = tpu.matmul %get3A_103, %get3A_108, %dot_general3A_109 {dimension_numbers = #tpu.dot_dimension_numbers<[1], [1], [0], [0], [0, 0, 1, 0], [], []>, precision = #tpu.contract_precision<fp32>, transpose_lhs_hint = false} : vector<256x128xf32>, vector<1024x128xf32>, vector<256x1024xf32> -> vector<256x1024xf32>
    %get3A_111 = arith.constant 0 : index
    %get3A_112 = arith.constant 0 : index
    %get3A_113 = vector.load %arg2[%get3A_111, %get3A_112] : memref<256x1xf32, #tpu.memory_space<vmem>>, vector<256x1xf32>
    %add3A_114 = vector.broadcast %get3A_113 : vector<256x1xf32> to vector<256x1024xf32>
    %add3A_115 = arith.addf %dot_general3A_110, %add3A_114 : vector<256x1024xf32>
    %swap3A_116 = arith.constant 5 : index
    %swap3A_117 = arith.constant 0 : index
    %swap3A_118 = arith.constant 0 : index
    %swap3A_119 = vector.load %arg3[%swap3A_116, %swap3A_117, %swap3A_118] : memref<8x256x1024xf32, #tpu.memory_space<vmem>>, vector<1x256x1024xf32>
    %swap3A_120 = vector.shape_cast %swap3A_119 : vector<1x256x1024xf32> to vector<256x1024xf32>
    %swap3A_121 = vector.shape_cast %add3A_115 : vector<256x1024xf32> to vector<1x256x1024xf32>
    tpu.vector_store %arg3[%swap3A_116, %swap3A_117, %swap3A_118], %swap3A_121 {strides = array<i32>} : memref<8x256x1024xf32, #tpu.memory_space<vmem>>, vector<1x256x1024xf32>,
    %get3A_122 = arith.constant 0 : index
    %get3A_123 = arith.constant 0 : index
    %get3A_124 = vector.load %arg1[%get3A_122, %get3A_123] : memref<256x128xf32, #tpu.memory_space<vmem>>, vector<256x128xf32>
    %get3A_125 = arith.constant 6 : index
    %get3A_126 = arith.constant 0 : index
    %get3A_127 = arith.constant 0 : index
    %get3A_128 = vector.load %arg0[%get3A_125, %get3A_126, %get3A_127] : memref<8x1024x128xf32, #tpu.memory_space<vmem>>, vector<1x1024x128xf32>
    %get3A_129 = vector.shape_cast %get3A_128 : vector<1x1024x128xf32> to vector<1024x128xf32>
    %dot_general3A_130 = arith.constant dense<0.000000e+00> : vector<256x1024xf32>
    %dot_general3A_131 = tpu.matmul %get3A_124, %get3A_129, %dot_general3A_130 {dimension_numbers = #tpu.dot_dimension_numbers<[1], [1], [0], [0], [0, 0, 1, 0], [], []>, precision = #tpu.contract_precision<fp32>, transpose_lhs_hint = false} : vector<256x128xf32>, vector<1024x128xf32>, vector<256x1024xf32> -> vector<256x1024xf32>
    %get3A_132 = arith.constant 0 : index
    %get3A_133 = arith.constant 0 : index
    %get3A_134 = vector.load %arg2[%get3A_132, %get3A_133] : memref<256x1xf32, #tpu.memory_space<vmem>>, vector<256x1xf32>
    %add3A_135 = vector.broadcast %get3A_134 : vector<256x1xf32> to vector<256x1024xf32>
    %add3A_136 = arith.addf %dot_general3A_131, %add3A_135 : vector<256x1024xf32>
    %swap3A_137 = arith.constant 6 : index
    %swap3A_138 = arith.constant 0 : index
    %swap3A_139 = arith.constant 0 : index
    %swap3A_140 = vector.load %arg3[%swap3A_137, %swap3A_138, %swap3A_139] : memref<8x256x1024xf32, #tpu.memory_space<vmem>>, vector<1x256x1024xf32>
    %swap3A_141 = vector.shape_cast %swap3A_140 : vector<1x256x1024xf32> to vector<256x1024xf32>
    %swap3A_142 = vector.shape_cast %add3A_136 : vector<256x1024xf32> to vector<1x256x1024xf32>
    tpu.vector_store %arg3[%swap3A_137, %swap3A_138, %swap3A_139], %swap3A_142 {strides = array<i32>} : memref<8x256x1024xf32, #tpu.memory_space<vmem>>, vector<1x256x1024xf32>,
    %get3A_143 = arith.constant 0 : index
    %get3A_144 = arith.constant 0 : index
    %get3A_145 = vector.load %arg1[%get3A_143, %get3A_144] : memref<256x128xf32, #tpu.memory_space<vmem>>, vector<256x128xf32>
    %get3A_146 = arith.constant 7 : index
    %get3A_147 = arith.constant 0 : index
    %get3A_148 = arith.constant 0 : index
    %get3A_149 = vector.load %arg0[%get3A_146, %get3A_147, %get3A_148] : memref<8x1024x128xf32, #tpu.memory_space<vmem>>, vector<1x1024x128xf32>
    %get3A_150 = vector.shape_cast %get3A_149 : vector<1x1024x128xf32> to vector<1024x128xf32>
    %dot_general3A_151 = arith.constant dense<0.000000e+00> : vector<256x1024xf32>
    %dot_general3A_152 = tpu.matmul %get3A_145, %get3A_150, %dot_general3A_151 {dimension_numbers = #tpu.dot_dimension_numbers<[1], [1], [0], [0], [0, 0, 1, 0], [], []>, precision = #tpu.contract_precision<fp32>, transpose_lhs_hint = false} : vector<256x128xf32>, vector<1024x128xf32>, vector<256x1024xf32> -> vector<256x1024xf32>
    %get3A_153 = arith.constant 0 : index
    %get3A_154 = arith.constant 0 : index
    %get3A_155 = vector.load %arg2[%get3A_153, %get3A_154] : memref<256x1xf32, #tpu.memory_space<vmem>>, vector<256x1xf32>
    %add3A_156 = vector.broadcast %get3A_155 : vector<256x1xf32> to vector<256x1024xf32>
    %add3A_157 = arith.addf %dot_general3A_152, %add3A_156 : vector<256x1024xf32>
    %swap3A_158 = arith.constant 7 : index
    %swap3A_159 = arith.constant 0 : index
    %swap3A_160 = arith.constant 0 : index
    %swap3A_161 = vector.load %arg3[%swap3A_158, %swap3A_159, %swap3A_160] : memref<8x256x1024xf32, #tpu.memory_space<vmem>>, vector<1x256x1024xf32>
    %swap3A_162 = vector.shape_cast %swap3A_161 : vector<1x256x1024xf32> to vector<256x1024xf32>
    %swap3A_163 = vector.shape_cast %add3A_157 : vector<256x1024xf32> to vector<1x256x1024xf32>
    tpu.vector_store %arg3[%swap3A_158, %swap3A_159, %swap3A_160], %swap3A_163 {strides = array<i32>} : memref<8x256x1024xf32, #tpu.memory_space<vmem>>, vector<1x256x1024xf32>,
    return
  }
}

module attributes {stable_mosaic.version = 14 : i64} {
  func.func @_fps_body(%arg0: memref<8x64x128xf32, #tpu.memory_space<vmem>>, %arg1: memref<8x64x128xf32, #tpu.memory_space<vmem>>, %arg2: memref<8x64x128xf32, #tpu.memory_space<vmem>>, %arg3: memref<8x8x128xi32, #tpu.memory_space<vmem>>, %arg4: memref<8x8x128xf32, #tpu.memory_space<vmem>>, %arg5: memref<8x8x128xf32, #tpu.memory_space<vmem>>, %arg6: memref<8x8x128xf32, #tpu.memory_space<vmem>>, %arg7: memref<8x64x128xf32, #tpu.memory_space<vmem>>) attributes {dimension_semantics = [], scalar_prefetch = 0 : i64, scratch_operands = 1 : i64, tpu.core_type = #tpu.core_type<tc>} {
    %iota3A = tpu.iota {dimensions = array<i32: 1>} : vector<1x128xi32>
    %iota3A_0 = tpu.iota {dimensions = array<i32: 1>} : vector<8x64x128xi32>
    %broadcast_in_dim3A = arith.constant 1.000000e+00 : f32
    %broadcast_in_dim3A_1 = vector.broadcast %broadcast_in_dim3A : f32 to vector<128x128xf32>
    %broadcast_in_dim3A_2 = arith.constant 1.000000e+10 : f32
    %broadcast_in_dim3A_3 = vector.broadcast %broadcast_in_dim3A_2 : f32 to vector<8x64x128xf32>
    %swap3A = arith.constant 0 : index
    %swap3A_4 = arith.constant 0 : index
    %swap3A_5 = arith.constant 0 : index
    %swap3A_6 = vector.load %arg7[%swap3A, %swap3A_4, %swap3A_5] : memref<8x64x128xf32, #tpu.memory_space<vmem>>, vector<8x64x128xf32>
    tpu.vector_store %arg7[%swap3A, %swap3A_4, %swap3A_5], %broadcast_in_dim3A_3 {strides = array<i32>} : memref<8x64x128xf32, #tpu.memory_space<vmem>>, vector<8x64x128xf32>,
    %broadcast_in_dim3A_7 = arith.constant 0 : i32
    %broadcast_in_dim3A_8 = vector.broadcast %broadcast_in_dim3A_7 : i32 to vector<8x1xi32>
    %broadcast_in_dim3A_9 = arith.constant 0 : i32
    %broadcast_in_dim3A_10 = vector.broadcast %broadcast_in_dim3A_9 : i32 to vector<8x128xi32>
    %broadcast_in_dim3A_11 = arith.constant 0.000000e+00 : f32
    %broadcast_in_dim3A_12 = vector.broadcast %broadcast_in_dim3A_11 : f32 to vector<8x128xf32>
    %broadcast_in_dim3A_13 = arith.constant 0.000000e+00 : f32
    %broadcast_in_dim3A_14 = vector.broadcast %broadcast_in_dim3A_13 : f32 to vector<8x128xf32>
    %broadcast_in_dim3A_15 = arith.constant 0.000000e+00 : f32
    %broadcast_in_dim3A_16 = vector.broadcast %broadcast_in_dim3A_15 : f32 to vector<8x128xf32>
    %slice3A = vector.extract_strided_slice %broadcast_in_dim3A_8 {offsets = [0, 0], sizes = [1, 1], strides = [1, 1]} : vector<8x1xi32> to vector<1x1xi32>
    %squeeze3A = vector.extract %slice3A[0, 0] : i32 from vector<1x1xi32>
    %slice3A_17 = vector.extract_strided_slice %broadcast_in_dim3A_8 {offsets = [1, 0], sizes = [1, 1], strides = [1, 1]} : vector<8x1xi32> to vector<1x1xi32>
    %squeeze3A_18 = vector.extract %slice3A_17[0, 0] : i32 from vector<1x1xi32>
    %slice3A_19 = vector.extract_strided_slice %broadcast_in_dim3A_8 {offsets = [2, 0], sizes = [1, 1], strides = [1, 1]} : vector<8x1xi32> to vector<1x1xi32>
    %squeeze3A_20 = vector.extract %slice3A_19[0, 0] : i32 from vector<1x1xi32>
    %slice3A_21 = vector.extract_strided_slice %broadcast_in_dim3A_8 {offsets = [3, 0], sizes = [1, 1], strides = [1, 1]} : vector<8x1xi32> to vector<1x1xi32>
    %squeeze3A_22 = vector.extract %slice3A_21[0, 0] : i32 from vector<1x1xi32>
    %slice3A_23 = vector.extract_strided_slice %broadcast_in_dim3A_8 {offsets = [4, 0], sizes = [1, 1], strides = [1, 1]} : vector<8x1xi32> to vector<1x1xi32>
    %squeeze3A_24 = vector.extract %slice3A_23[0, 0] : i32 from vector<1x1xi32>
    %slice3A_25 = vector.extract_strided_slice %broadcast_in_dim3A_8 {offsets = [5, 0], sizes = [1, 1], strides = [1, 1]} : vector<8x1xi32> to vector<1x1xi32>
    %squeeze3A_26 = vector.extract %slice3A_25[0, 0] : i32 from vector<1x1xi32>
    %slice3A_27 = vector.extract_strided_slice %broadcast_in_dim3A_8 {offsets = [6, 0], sizes = [1, 1], strides = [1, 1]} : vector<8x1xi32> to vector<1x1xi32>
    %squeeze3A_28 = vector.extract %slice3A_27[0, 0] : i32 from vector<1x1xi32>
    %slice3A_29 = vector.extract_strided_slice %broadcast_in_dim3A_8 {offsets = [7, 0], sizes = [1, 1], strides = [1, 1]} : vector<8x1xi32> to vector<1x1xi32>
    %squeeze3A_30 = vector.extract %slice3A_29[0, 0] : i32 from vector<1x1xi32>
    %eq3A = arith.constant 0 : i32
    %eq3A_31 = vector.broadcast %eq3A : i32 to vector<1x128xi32>
    %eq3A_32 = arith.cmpi eq, %iota3A, %eq3A_31 : vector<1x128xi32>
    %broadcast_in_dim3A_33 = vector.shape_cast %eq3A_32 : vector<1x128xi1> to vector<1x128xi1>
    %broadcast_in_dim3A_34 = vector.broadcast %broadcast_in_dim3A_33 : vector<1x128xi1> to vector<8x128xi1>
    %iota3A_35 = tpu.iota {dimensions = array<i32: 0>} : vector<8x128xi32>
    %add3A = arith.constant 0 : i32
    %add3A_36 = vector.broadcast %add3A : i32 to vector<8x128xi32>
    %add3A_37 = arith.addi %iota3A_35, %add3A_36 : vector<8x128xi32>
    %mul3A = arith.constant 8192 : i32
    %mul3A_38 = vector.broadcast %mul3A : i32 to vector<8x128xi32>
    %mul3A_39 = arith.muli %add3A_37, %mul3A_38 : vector<8x128xi32>
    %jit3A = arith.constant 128 : i32
    %div3A = arith.divsi %squeeze3A, %jit3A : i32
    %sign3A = arith.constant 0 : i32
    %sign3A_40 = arith.cmpi sgt, %squeeze3A, %sign3A : i32
    %sign3A_41 = arith.extui %sign3A_40 : i1 to i32
    %sign3A_42 = arith.constant 0 : i32
    %sign3A_43 = arith.cmpi slt, %squeeze3A, %sign3A_42 : i32
    %sign3A_44 = arith.extui %sign3A_43 : i1 to i32
    %sign3A_45 = arith.subi %sign3A_41, %sign3A_44 : i32
    %sign3A_46 = arith.constant 0 : i32
    %sign3A_47 = arith.cmpi sgt, %jit3A, %sign3A_46 : i32
    %sign3A_48 = arith.extui %sign3A_47 : i1 to i32
    %sign3A_49 = arith.constant 0 : i32
    %sign3A_50 = arith.cmpi slt, %jit3A, %sign3A_49 : i32
    %sign3A_51 = arith.extui %sign3A_50 : i1 to i32
    %sign3A_52 = arith.subi %sign3A_48, %sign3A_51 : i32
    %ne3A = arith.cmpi ne, %sign3A_45, %sign3A_52 : i32
    %rem3A = arith.remsi %squeeze3A, %jit3A : i32
    %ne3A_53 = arith.constant 0 : i32
    %ne3A_54 = arith.cmpi ne, %rem3A, %ne3A_53 : i32
    %and3A = arith.andi %ne3A, %ne3A_54 : i1
    %sub3A = arith.constant 1 : i32
    %sub3A_55 = arith.subi %div3A, %sub3A : i32
    %select_n3A = arith.select %and3A, %sub3A_55, %div3A : i32
    %mul3A_56 = arith.constant 128 : i32
    %mul3A_57 = arith.muli %select_n3A, %mul3A_56 : i32
    %sub3A_58 = arith.subi %squeeze3A, %mul3A_57 : i32
    %eq3A_59 = vector.broadcast %sub3A_58 : i32 to vector<1x128xi32>
    %eq3A_60 = arith.cmpi eq, %iota3A, %eq3A_59 : vector<1x128xi32>
    %get3A = arith.constant 0 : index
    %get3A_61 = arith.index_cast %select_n3A : i32 to index
    %get3A_62 = arith.constant 0 : index
    %get3A_63 = vector.load %arg0[%get3A, %get3A_61, %get3A_62] : memref<8x64x128xf32, #tpu.memory_space<vmem>>, vector<1x1x128xf32>
    %get3A_64 = vector.shape_cast %get3A_63 : vector<1x1x128xf32> to vector<1x128xf32>
    %jit3A_65 = arith.constant 0.000000e+00 : f32
    %broadcast_in_dim3A_66 = vector.broadcast %jit3A_65 : f32 to vector<1x128xf32>
    %select_n3A_67 = arith.select %eq3A_60, %get3A_64, %broadcast_in_dim3A_66 : vector<1x128xi1>, vector<1x128xf32>
    %get3A_68 = arith.constant 0 : index
    %get3A_69 = arith.index_cast %select_n3A : i32 to index
    %get3A_70 = arith.constant 0 : index
    %get3A_71 = vector.load %arg1[%get3A_68, %get3A_69, %get3A_70] : memref<8x64x128xf32, #tpu.memory_space<vmem>>, vector<1x1x128xf32>
    %get3A_72 = vector.shape_cast %get3A_71 : vector<1x1x128xf32> to vector<1x128xf32>
    %jit3A_73 = arith.constant 0.000000e+00 : f32
    %broadcast_in_dim3A_74 = vector.broadcast %jit3A_73 : f32 to vector<1x128xf32>
    %select_n3A_75 = arith.select %eq3A_60, %get3A_72, %broadcast_in_dim3A_74 : vector<1x128xi1>, vector<1x128xf32>
    %get3A_76 = arith.constant 0 : index
    %get3A_77 = arith.index_cast %select_n3A : i32 to index
    %get3A_78 = arith.constant 0 : index
    %get3A_79 = vector.load %arg2[%get3A_76, %get3A_77, %get3A_78] : memref<8x64x128xf32, #tpu.memory_space<vmem>>, vector<1x1x128xf32>
    %get3A_80 = vector.shape_cast %get3A_79 : vector<1x1x128xf32> to vector<1x128xf32>
    %jit3A_81 = arith.constant 0.000000e+00 : f32
    %broadcast_in_dim3A_82 = vector.broadcast %jit3A_81 : f32 to vector<1x128xf32>
    %select_n3A_83 = arith.select %eq3A_60, %get3A_80, %broadcast_in_dim3A_82 : vector<1x128xi1>, vector<1x128xf32>
    %jit3A_84 = arith.constant 128 : i32
    %div3A_85 = arith.divsi %squeeze3A_18, %jit3A_84 : i32
    %sign3A_86 = arith.constant 0 : i32
    %sign3A_87 = arith.cmpi sgt, %squeeze3A_18, %sign3A_86 : i32
    %sign3A_88 = arith.extui %sign3A_87 : i1 to i32
    %sign3A_89 = arith.constant 0 : i32
    %sign3A_90 = arith.cmpi slt, %squeeze3A_18, %sign3A_89 : i32
    %sign3A_91 = arith.extui %sign3A_90 : i1 to i32
    %sign3A_92 = arith.subi %sign3A_88, %sign3A_91 : i32
    %sign3A_93 = arith.constant 0 : i32
    %sign3A_94 = arith.cmpi sgt, %jit3A_84, %sign3A_93 : i32
    %sign3A_95 = arith.extui %sign3A_94 : i1 to i32
    %sign3A_96 = arith.constant 0 : i32
    %sign3A_97 = arith.cmpi slt, %jit3A_84, %sign3A_96 : i32
    %sign3A_98 = arith.extui %sign3A_97 : i1 to i32
    %sign3A_99 = arith.subi %sign3A_95, %sign3A_98 : i32
    %ne3A_100 = arith.cmpi ne, %sign3A_92, %sign3A_99 : i32
    %rem3A_101 = arith.remsi %squeeze3A_18, %jit3A_84 : i32
    %ne3A_102 = arith.constant 0 : i32
    %ne3A_103 = arith.cmpi ne, %rem3A_101, %ne3A_102 : i32
    %and3A_104 = arith.andi %ne3A_100, %ne3A_103 : i1
    %sub3A_105 = arith.constant 1 : i32
    %sub3A_106 = arith.subi %div3A_85, %sub3A_105 : i32
    %select_n3A_107 = arith.select %and3A_104, %sub3A_106, %div3A_85 : i32
    %mul3A_108 = arith.constant 128 : i32
    %mul3A_109 = arith.muli %select_n3A_107, %mul3A_108 : i32
    %sub3A_110 = arith.subi %squeeze3A_18, %mul3A_109 : i32
    %eq3A_111 = vector.broadcast %sub3A_110 : i32 to vector<1x128xi32>
    %eq3A_112 = arith.cmpi eq, %iota3A, %eq3A_111 : vector<1x128xi32>
    %get3A_113 = arith.constant 1 : index
    %get3A_114 = arith.index_cast %select_n3A_107 : i32 to index
    %get3A_115 = arith.constant 0 : index
    %get3A_116 = vector.load %arg0[%get3A_113, %get3A_114, %get3A_115] : memref<8x64x128xf32, #tpu.memory_space<vmem>>, vector<1x1x128xf32>
    %get3A_117 = vector.shape_cast %get3A_116 : vector<1x1x128xf32> to vector<1x128xf32>
    %jit3A_118 = arith.constant 0.000000e+00 : f32
    %broadcast_in_dim3A_119 = vector.broadcast %jit3A_118 : f32 to vector<1x128xf32>
    %select_n3A_120 = arith.select %eq3A_112, %get3A_117, %broadcast_in_dim3A_119 : vector<1x128xi1>, vector<1x128xf32>
    %get3A_121 = arith.constant 1 : index
    %get3A_122 = arith.index_cast %select_n3A_107 : i32 to index
    %get3A_123 = arith.constant 0 : index
    %get3A_124 = vector.load %arg1[%get3A_121, %get3A_122, %get3A_123] : memref<8x64x128xf32, #tpu.memory_space<vmem>>, vector<1x1x128xf32>
    %get3A_125 = vector.shape_cast %get3A_124 : vector<1x1x128xf32> to vector<1x128xf32>
    %jit3A_126 = arith.constant 0.000000e+00 : f32
    %broadcast_in_dim3A_127 = vector.broadcast %jit3A_126 : f32 to vector<1x128xf32>
    %select_n3A_128 = arith.select %eq3A_112, %get3A_125, %broadcast_in_dim3A_127 : vector<1x128xi1>, vector<1x128xf32>
    %get3A_129 = arith.constant 1 : index
    %get3A_130 = arith.index_cast %select_n3A_107 : i32 to index
    %get3A_131 = arith.constant 0 : index
    %get3A_132 = vector.load %arg2[%get3A_129, %get3A_130, %get3A_131] : memref<8x64x128xf32, #tpu.memory_space<vmem>>, vector<1x1x128xf32>
    %get3A_133 = vector.shape_cast %get3A_132 : vector<1x1x128xf32> to vector<1x128xf32>
    %jit3A_134 = arith.constant 0.000000e+00 : f32
    %broadcast_in_dim3A_135 = vector.broadcast %jit3A_134 : f32 to vector<1x128xf32>
    %select_n3A_136 = arith.select %eq3A_112, %get3A_133, %broadcast_in_dim3A_135 : vector<1x128xi1>, vector<1x128xf32>
    %jit3A_137 = arith.constant 128 : i32
    %div3A_138 = arith.divsi %squeeze3A_20, %jit3A_137 : i32
    %sign3A_139 = arith.constant 0 : i32
    %sign3A_140 = arith.cmpi sgt, %squeeze3A_20, %sign3A_139 : i32
    %sign3A_141 = arith.extui %sign3A_140 : i1 to i32
    %sign3A_142 = arith.constant 0 : i32
    %sign3A_143 = arith.cmpi slt, %squeeze3A_20, %sign3A_142 : i32
    %sign3A_144 = arith.extui %sign3A_143 : i1 to i32
    %sign3A_145 = arith.subi %sign3A_141, %sign3A_144 : i32
    %sign3A_146 = arith.constant 0 : i32
    %sign3A_147 = arith.cmpi sgt, %jit3A_137, %sign3A_146 : i32
    %sign3A_148 = arith.extui %sign3A_147 : i1 to i32
    %sign3A_149 = arith.constant 0 : i32
    %sign3A_150 = arith.cmpi slt, %jit3A_137, %sign3A_149 : i32
    %sign3A_151 = arith.extui %sign3A_150 : i1 to i32
    %sign3A_152 = arith.subi %sign3A_148, %sign3A_151 : i32
    %ne3A_153 = arith.cmpi ne, %sign3A_145, %sign3A_152 : i32
    %rem3A_154 = arith.remsi %squeeze3A_20, %jit3A_137 : i32
    %ne3A_155 = arith.constant 0 : i32
    %ne3A_156 = arith.cmpi ne, %rem3A_154, %ne3A_155 : i32
    %and3A_157 = arith.andi %ne3A_153, %ne3A_156 : i1
    %sub3A_158 = arith.constant 1 : i32
    %sub3A_159 = arith.subi %div3A_138, %sub3A_158 : i32
    %select_n3A_160 = arith.select %and3A_157, %sub3A_159, %div3A_138 : i32
    %mul3A_161 = arith.constant 128 : i32
    %mul3A_162 = arith.muli %select_n3A_160, %mul3A_161 : i32
    %sub3A_163 = arith.subi %squeeze3A_20, %mul3A_162 : i32
    %eq3A_164 = vector.broadcast %sub3A_163 : i32 to vector<1x128xi32>
    %eq3A_165 = arith.cmpi eq, %iota3A, %eq3A_164 : vector<1x128xi32>
    %get3A_166 = arith.constant 2 : index
    %get3A_167 = arith.index_cast %select_n3A_160 : i32 to index
    %get3A_168 = arith.constant 0 : index
    %get3A_169 = vector.load %arg0[%get3A_166, %get3A_167, %get3A_168] : memref<8x64x128xf32, #tpu.memory_space<vmem>>, vector<1x1x128xf32>
    %get3A_170 = vector.shape_cast %get3A_169 : vector<1x1x128xf32> to vector<1x128xf32>
    %jit3A_171 = arith.constant 0.000000e+00 : f32
    %broadcast_in_dim3A_172 = vector.broadcast %jit3A_171 : f32 to vector<1x128xf32>
    %select_n3A_173 = arith.select %eq3A_165, %get3A_170, %broadcast_in_dim3A_172 : vector<1x128xi1>, vector<1x128xf32>
    %get3A_174 = arith.constant 2 : index
    %get3A_175 = arith.index_cast %select_n3A_160 : i32 to index
    %get3A_176 = arith.constant 0 : index
    %get3A_177 = vector.load %arg1[%get3A_174, %get3A_175, %get3A_176] : memref<8x64x128xf32, #tpu.memory_space<vmem>>, vector<1x1x128xf32>
    %get3A_178 = vector.shape_cast %get3A_177 : vector<1x1x128xf32> to vector<1x128xf32>
    %jit3A_179 = arith.constant 0.000000e+00 : f32
    %broadcast_in_dim3A_180 = vector.broadcast %jit3A_179 : f32 to vector<1x128xf32>
    %select_n3A_181 = arith.select %eq3A_165, %get3A_178, %broadcast_in_dim3A_180 : vector<1x128xi1>, vector<1x128xf32>
    %get3A_182 = arith.constant 2 : index
    %get3A_183 = arith.index_cast %select_n3A_160 : i32 to index
    %get3A_184 = arith.constant 0 : index
    %get3A_185 = vector.load %arg2[%get3A_182, %get3A_183, %get3A_184] : memref<8x64x128xf32, #tpu.memory_space<vmem>>, vector<1x1x128xf32>
    %get3A_186 = vector.shape_cast %get3A_185 : vector<1x1x128xf32> to vector<1x128xf32>
    %jit3A_187 = arith.constant 0.000000e+00 : f32
    %broadcast_in_dim3A_188 = vector.broadcast %jit3A_187 : f32 to vector<1x128xf32>
    %select_n3A_189 = arith.select %eq3A_165, %get3A_186, %broadcast_in_dim3A_188 : vector<1x128xi1>, vector<1x128xf32>
    %jit3A_190 = arith.constant 128 : i32
    %div3A_191 = arith.divsi %squeeze3A_22, %jit3A_190 : i32
    %sign3A_192 = arith.constant 0 : i32
    %sign3A_193 = arith.cmpi sgt, %squeeze3A_22, %sign3A_192 : i32
    %sign3A_194 = arith.extui %sign3A_193 : i1 to i32
    %sign3A_195 = arith.constant 0 : i32
    %sign3A_196 = arith.cmpi slt, %squeeze3A_22, %sign3A_195 : i32
    %sign3A_197 = arith.extui %sign3A_196 : i1 to i32
    %sign3A_198 = arith.subi %sign3A_194, %sign3A_197 : i32
    %sign3A_199 = arith.constant 0 : i32
    %sign3A_200 = arith.cmpi sgt, %jit3A_190, %sign3A_199 : i32
    %sign3A_201 = arith.extui %sign3A_200 : i1 to i32
    %sign3A_202 = arith.constant 0 : i32
    %sign3A_203 = arith.cmpi slt, %jit3A_190, %sign3A_202 : i32
    %sign3A_204 = arith.extui %sign3A_203 : i1 to i32
    %sign3A_205 = arith.subi %sign3A_201, %sign3A_204 : i32
    %ne3A_206 = arith.cmpi ne, %sign3A_198, %sign3A_205 : i32
    %rem3A_207 = arith.remsi %squeeze3A_22, %jit3A_190 : i32
    %ne3A_208 = arith.constant 0 : i32
    %ne3A_209 = arith.cmpi ne, %rem3A_207, %ne3A_208 : i32
    %and3A_210 = arith.andi %ne3A_206, %ne3A_209 : i1
    %sub3A_211 = arith.constant 1 : i32
    %sub3A_212 = arith.subi %div3A_191, %sub3A_211 : i32
    %select_n3A_213 = arith.select %and3A_210, %sub3A_212, %div3A_191 : i32
    %mul3A_214 = arith.constant 128 : i32
    %mul3A_215 = arith.muli %select_n3A_213, %mul3A_214 : i32
    %sub3A_216 = arith.subi %squeeze3A_22, %mul3A_215 : i32
    %eq3A_217 = vector.broadcast %sub3A_216 : i32 to vector<1x128xi32>
    %eq3A_218 = arith.cmpi eq, %iota3A, %eq3A_217 : vector<1x128xi32>
    %get3A_219 = arith.constant 3 : index
    %get3A_220 = arith.index_cast %select_n3A_213 : i32 to index
    %get3A_221 = arith.constant 0 : index
    %get3A_222 = vector.load %arg0[%get3A_219, %get3A_220, %get3A_221] : memref<8x64x128xf32, #tpu.memory_space<vmem>>, vector<1x1x128xf32>
    %get3A_223 = vector.shape_cast %get3A_222 : vector<1x1x128xf32> to vector<1x128xf32>
    %jit3A_224 = arith.constant 0.000000e+00 : f32
    %broadcast_in_dim3A_225 = vector.broadcast %jit3A_224 : f32 to vector<1x128xf32>
    %select_n3A_226 = arith.select %eq3A_218, %get3A_223, %broadcast_in_dim3A_225 : vector<1x128xi1>, vector<1x128xf32>
    %get3A_227 = arith.constant 3 : index
    %get3A_228 = arith.index_cast %select_n3A_213 : i32 to index
    %get3A_229 = arith.constant 0 : index
    %get3A_230 = vector.load %arg1[%get3A_227, %get3A_228, %get3A_229] : memref<8x64x128xf32, #tpu.memory_space<vmem>>, vector<1x1x128xf32>
    %get3A_231 = vector.shape_cast %get3A_230 : vector<1x1x128xf32> to vector<1x128xf32>
    %jit3A_232 = arith.constant 0.000000e+00 : f32
    %broadcast_in_dim3A_233 = vector.broadcast %jit3A_232 : f32 to vector<1x128xf32>
    %select_n3A_234 = arith.select %eq3A_218, %get3A_231, %broadcast_in_dim3A_233 : vector<1x128xi1>, vector<1x128xf32>
    %get3A_235 = arith.constant 3 : index
    %get3A_236 = arith.index_cast %select_n3A_213 : i32 to index
    %get3A_237 = arith.constant 0 : index
    %get3A_238 = vector.load %arg2[%get3A_235, %get3A_236, %get3A_237] : memref<8x64x128xf32, #tpu.memory_space<vmem>>, vector<1x1x128xf32>
    %get3A_239 = vector.shape_cast %get3A_238 : vector<1x1x128xf32> to vector<1x128xf32>
    %jit3A_240 = arith.constant 0.000000e+00 : f32
    %broadcast_in_dim3A_241 = vector.broadcast %jit3A_240 : f32 to vector<1x128xf32>
    %select_n3A_242 = arith.select %eq3A_218, %get3A_239, %broadcast_in_dim3A_241 : vector<1x128xi1>, vector<1x128xf32>
    %jit3A_243 = arith.constant 128 : i32
    %div3A_244 = arith.divsi %squeeze3A_24, %jit3A_243 : i32
    %sign3A_245 = arith.constant 0 : i32
    %sign3A_246 = arith.cmpi sgt, %squeeze3A_24, %sign3A_245 : i32
    %sign3A_247 = arith.extui %sign3A_246 : i1 to i32
    %sign3A_248 = arith.constant 0 : i32
    %sign3A_249 = arith.cmpi slt, %squeeze3A_24, %sign3A_248 : i32
    %sign3A_250 = arith.extui %sign3A_249 : i1 to i32
    %sign3A_251 = arith.subi %sign3A_247, %sign3A_250 : i32
    %sign3A_252 = arith.constant 0 : i32
    %sign3A_253 = arith.cmpi sgt, %jit3A_243, %sign3A_252 : i32
    %sign3A_254 = arith.extui %sign3A_253 : i1 to i32
    %sign3A_255 = arith.constant 0 : i32
    %sign3A_256 = arith.cmpi slt, %jit3A_243, %sign3A_255 : i32
    %sign3A_257 = arith.extui %sign3A_256 : i1 to i32
    %sign3A_258 = arith.subi %sign3A_254, %sign3A_257 : i32
    %ne3A_259 = arith.cmpi ne, %sign3A_251, %sign3A_258 : i32
    %rem3A_260 = arith.remsi %squeeze3A_24, %jit3A_243 : i32
    %ne3A_261 = arith.constant 0 : i32
    %ne3A_262 = arith.cmpi ne, %rem3A_260, %ne3A_261 : i32
    %and3A_263 = arith.andi %ne3A_259, %ne3A_262 : i1
    %sub3A_264 = arith.constant 1 : i32
    %sub3A_265 = arith.subi %div3A_244, %sub3A_264 : i32
    %select_n3A_266 = arith.select %and3A_263, %sub3A_265, %div3A_244 : i32
    %mul3A_267 = arith.constant 128 : i32
    %mul3A_268 = arith.muli %select_n3A_266, %mul3A_267 : i32
    %sub3A_269 = arith.subi %squeeze3A_24, %mul3A_268 : i32
    %eq3A_270 = vector.broadcast %sub3A_269 : i32 to vector<1x128xi32>
    %eq3A_271 = arith.cmpi eq, %iota3A, %eq3A_270 : vector<1x128xi32>
    %get3A_272 = arith.constant 4 : index
    %get3A_273 = arith.index_cast %select_n3A_266 : i32 to index
    %get3A_274 = arith.constant 0 : index
    %get3A_275 = vector.load %arg0[%get3A_272, %get3A_273, %get3A_274] : memref<8x64x128xf32, #tpu.memory_space<vmem>>, vector<1x1x128xf32>
    %get3A_276 = vector.shape_cast %get3A_275 : vector<1x1x128xf32> to vector<1x128xf32>
    %jit3A_277 = arith.constant 0.000000e+00 : f32
    %broadcast_in_dim3A_278 = vector.broadcast %jit3A_277 : f32 to vector<1x128xf32>
    %select_n3A_279 = arith.select %eq3A_271, %get3A_276, %broadcast_in_dim3A_278 : vector<1x128xi1>, vector<1x128xf32>
    %get3A_280 = arith.constant 4 : index
    %get3A_281 = arith.index_cast %select_n3A_266 : i32 to index
    %get3A_282 = arith.constant 0 : index
    %get3A_283 = vector.load %arg1[%get3A_280, %get3A_281, %get3A_282] : memref<8x64x128xf32, #tpu.memory_space<vmem>>, vector<1x1x128xf32>
    %get3A_284 = vector.shape_cast %get3A_283 : vector<1x1x128xf32> to vector<1x128xf32>
    %jit3A_285 = arith.constant 0.000000e+00 : f32
    %broadcast_in_dim3A_286 = vector.broadcast %jit3A_285 : f32 to vector<1x128xf32>
    %select_n3A_287 = arith.select %eq3A_271, %get3A_284, %broadcast_in_dim3A_286 : vector<1x128xi1>, vector<1x128xf32>
    %get3A_288 = arith.constant 4 : index
    %get3A_289 = arith.index_cast %select_n3A_266 : i32 to index
    %get3A_290 = arith.constant 0 : index
    %get3A_291 = vector.load %arg2[%get3A_288, %get3A_289, %get3A_290] : memref<8x64x128xf32, #tpu.memory_space<vmem>>, vector<1x1x128xf32>
    %get3A_292 = vector.shape_cast %get3A_291 : vector<1x1x128xf32> to vector<1x128xf32>
    %jit3A_293 = arith.constant 0.000000e+00 : f32
    %broadcast_in_dim3A_294 = vector.broadcast %jit3A_293 : f32 to vector<1x128xf32>
    %select_n3A_295 = arith.select %eq3A_271, %get3A_292, %broadcast_in_dim3A_294 : vector<1x128xi1>, vector<1x128xf32>
    %jit3A_296 = arith.constant 128 : i32
    %div3A_297 = arith.divsi %squeeze3A_26, %jit3A_296 : i32
    %sign3A_298 = arith.constant 0 : i32
    %sign3A_299 = arith.cmpi sgt, %squeeze3A_26, %sign3A_298 : i32
    %sign3A_300 = arith.extui %sign3A_299 : i1 to i32
    %sign3A_301 = arith.constant 0 : i32
    %sign3A_302 = arith.cmpi slt, %squeeze3A_26, %sign3A_301 : i32
    %sign3A_303 = arith.extui %sign3A_302 : i1 to i32
    %sign3A_304 = arith.subi %sign3A_300, %sign3A_303 : i32
    %sign3A_305 = arith.constant 0 : i32
    %sign3A_306 = arith.cmpi sgt, %jit3A_296, %sign3A_305 : i32
    %sign3A_307 = arith.extui %sign3A_306 : i1 to i32
    %sign3A_308 = arith.constant 0 : i32
    %sign3A_309 = arith.cmpi slt, %jit3A_296, %sign3A_308 : i32
    %sign3A_310 = arith.extui %sign3A_309 : i1 to i32
    %sign3A_311 = arith.subi %sign3A_307, %sign3A_310 : i32
    %ne3A_312 = arith.cmpi ne, %sign3A_304, %sign3A_311 : i32
    %rem3A_313 = arith.remsi %squeeze3A_26, %jit3A_296 : i32
    %ne3A_314 = arith.constant 0 : i32
    %ne3A_315 = arith.cmpi ne, %rem3A_313, %ne3A_314 : i32
    %and3A_316 = arith.andi %ne3A_312, %ne3A_315 : i1
    %sub3A_317 = arith.constant 1 : i32
    %sub3A_318 = arith.subi %div3A_297, %sub3A_317 : i32
    %select_n3A_319 = arith.select %and3A_316, %sub3A_318, %div3A_297 : i32
    %mul3A_320 = arith.constant 128 : i32
    %mul3A_321 = arith.muli %select_n3A_319, %mul3A_320 : i32
    %sub3A_322 = arith.subi %squeeze3A_26, %mul3A_321 : i32
    %eq3A_323 = vector.broadcast %sub3A_322 : i32 to vector<1x128xi32>
    %eq3A_324 = arith.cmpi eq, %iota3A, %eq3A_323 : vector<1x128xi32>
    %get3A_325 = arith.constant 5 : index
    %get3A_326 = arith.index_cast %select_n3A_319 : i32 to index
    %get3A_327 = arith.constant 0 : index
    %get3A_328 = vector.load %arg0[%get3A_325, %get3A_326, %get3A_327] : memref<8x64x128xf32, #tpu.memory_space<vmem>>, vector<1x1x128xf32>
    %get3A_329 = vector.shape_cast %get3A_328 : vector<1x1x128xf32> to vector<1x128xf32>
    %jit3A_330 = arith.constant 0.000000e+00 : f32
    %broadcast_in_dim3A_331 = vector.broadcast %jit3A_330 : f32 to vector<1x128xf32>
    %select_n3A_332 = arith.select %eq3A_324, %get3A_329, %broadcast_in_dim3A_331 : vector<1x128xi1>, vector<1x128xf32>
    %get3A_333 = arith.constant 5 : index
    %get3A_334 = arith.index_cast %select_n3A_319 : i32 to index
    %get3A_335 = arith.constant 0 : index
    %get3A_336 = vector.load %arg1[%get3A_333, %get3A_334, %get3A_335] : memref<8x64x128xf32, #tpu.memory_space<vmem>>, vector<1x1x128xf32>
    %get3A_337 = vector.shape_cast %get3A_336 : vector<1x1x128xf32> to vector<1x128xf32>
    %jit3A_338 = arith.constant 0.000000e+00 : f32
    %broadcast_in_dim3A_339 = vector.broadcast %jit3A_338 : f32 to vector<1x128xf32>
    %select_n3A_340 = arith.select %eq3A_324, %get3A_337, %broadcast_in_dim3A_339 : vector<1x128xi1>, vector<1x128xf32>
    %get3A_341 = arith.constant 5 : index
    %get3A_342 = arith.index_cast %select_n3A_319 : i32 to index
    %get3A_343 = arith.constant 0 : index
    %get3A_344 = vector.load %arg2[%get3A_341, %get3A_342, %get3A_343] : memref<8x64x128xf32, #tpu.memory_space<vmem>>, vector<1x1x128xf32>
    %get3A_345 = vector.shape_cast %get3A_344 : vector<1x1x128xf32> to vector<1x128xf32>
    %jit3A_346 = arith.constant 0.000000e+00 : f32
    %broadcast_in_dim3A_347 = vector.broadcast %jit3A_346 : f32 to vector<1x128xf32>
    %select_n3A_348 = arith.select %eq3A_324, %get3A_345, %broadcast_in_dim3A_347 : vector<1x128xi1>, vector<1x128xf32>
    %jit3A_349 = arith.constant 128 : i32
    %div3A_350 = arith.divsi %squeeze3A_28, %jit3A_349 : i32
    %sign3A_351 = arith.constant 0 : i32
    %sign3A_352 = arith.cmpi sgt, %squeeze3A_28, %sign3A_351 : i32
    %sign3A_353 = arith.extui %sign3A_352 : i1 to i32
    %sign3A_354 = arith.constant 0 : i32
    %sign3A_355 = arith.cmpi slt, %squeeze3A_28, %sign3A_354 : i32
    %sign3A_356 = arith.extui %sign3A_355 : i1 to i32
    %sign3A_357 = arith.subi %sign3A_353, %sign3A_356 : i32
    %sign3A_358 = arith.constant 0 : i32
    %sign3A_359 = arith.cmpi sgt, %jit3A_349, %sign3A_358 : i32
    %sign3A_360 = arith.extui %sign3A_359 : i1 to i32
    %sign3A_361 = arith.constant 0 : i32
    %sign3A_362 = arith.cmpi slt, %jit3A_349, %sign3A_361 : i32
    %sign3A_363 = arith.extui %sign3A_362 : i1 to i32
    %sign3A_364 = arith.subi %sign3A_360, %sign3A_363 : i32
    %ne3A_365 = arith.cmpi ne, %sign3A_357, %sign3A_364 : i32
    %rem3A_366 = arith.remsi %squeeze3A_28, %jit3A_349 : i32
    %ne3A_367 = arith.constant 0 : i32
    %ne3A_368 = arith.cmpi ne, %rem3A_366, %ne3A_367 : i32
    %and3A_369 = arith.andi %ne3A_365, %ne3A_368 : i1
    %sub3A_370 = arith.constant 1 : i32
    %sub3A_371 = arith.subi %div3A_350, %sub3A_370 : i32
    %select_n3A_372 = arith.select %and3A_369, %sub3A_371, %div3A_350 : i32
    %mul3A_373 = arith.constant 128 : i32
    %mul3A_374 = arith.muli %select_n3A_372, %mul3A_373 : i32
    %sub3A_375 = arith.subi %squeeze3A_28, %mul3A_374 : i32
    %eq3A_376 = vector.broadcast %sub3A_375 : i32 to vector<1x128xi32>
    %eq3A_377 = arith.cmpi eq, %iota3A, %eq3A_376 : vector<1x128xi32>
    %get3A_378 = arith.constant 6 : index
    %get3A_379 = arith.index_cast %select_n3A_372 : i32 to index
    %get3A_380 = arith.constant 0 : index
    %get3A_381 = vector.load %arg0[%get3A_378, %get3A_379, %get3A_380] : memref<8x64x128xf32, #tpu.memory_space<vmem>>, vector<1x1x128xf32>
    %get3A_382 = vector.shape_cast %get3A_381 : vector<1x1x128xf32> to vector<1x128xf32>
    %jit3A_383 = arith.constant 0.000000e+00 : f32
    %broadcast_in_dim3A_384 = vector.broadcast %jit3A_383 : f32 to vector<1x128xf32>
    %select_n3A_385 = arith.select %eq3A_377, %get3A_382, %broadcast_in_dim3A_384 : vector<1x128xi1>, vector<1x128xf32>
    %get3A_386 = arith.constant 6 : index
    %get3A_387 = arith.index_cast %select_n3A_372 : i32 to index
    %get3A_388 = arith.constant 0 : index
    %get3A_389 = vector.load %arg1[%get3A_386, %get3A_387, %get3A_388] : memref<8x64x128xf32, #tpu.memory_space<vmem>>, vector<1x1x128xf32>
    %get3A_390 = vector.shape_cast %get3A_389 : vector<1x1x128xf32> to vector<1x128xf32>
    %jit3A_391 = arith.constant 0.000000e+00 : f32
    %broadcast_in_dim3A_392 = vector.broadcast %jit3A_391 : f32 to vector<1x128xf32>
    %select_n3A_393 = arith.select %eq3A_377, %get3A_390, %broadcast_in_dim3A_392 : vector<1x128xi1>, vector<1x128xf32>
    %get3A_394 = arith.constant 6 : index
    %get3A_395 = arith.index_cast %select_n3A_372 : i32 to index
    %get3A_396 = arith.constant 0 : index
    %get3A_397 = vector.load %arg2[%get3A_394, %get3A_395, %get3A_396] : memref<8x64x128xf32, #tpu.memory_space<vmem>>, vector<1x1x128xf32>
    %get3A_398 = vector.shape_cast %get3A_397 : vector<1x1x128xf32> to vector<1x128xf32>
    %jit3A_399 = arith.constant 0.000000e+00 : f32
    %broadcast_in_dim3A_400 = vector.broadcast %jit3A_399 : f32 to vector<1x128xf32>
    %select_n3A_401 = arith.select %eq3A_377, %get3A_398, %broadcast_in_dim3A_400 : vector<1x128xi1>, vector<1x128xf32>
    %jit3A_402 = arith.constant 128 : i32
    %div3A_403 = arith.divsi %squeeze3A_30, %jit3A_402 : i32
    %sign3A_404 = arith.constant 0 : i32
    %sign3A_405 = arith.cmpi sgt, %squeeze3A_30, %sign3A_404 : i32
    %sign3A_406 = arith.extui %sign3A_405 : i1 to i32
    %sign3A_407 = arith.constant 0 : i32
    %sign3A_408 = arith.cmpi slt, %squeeze3A_30, %sign3A_407 : i32
    %sign3A_409 = arith.extui %sign3A_408 : i1 to i32
    %sign3A_410 = arith.subi %sign3A_406, %sign3A_409 : i32
    %sign3A_411 = arith.constant 0 : i32
    %sign3A_412 = arith.cmpi sgt, %jit3A_402, %sign3A_411 : i32
    %sign3A_413 = arith.extui %sign3A_412 : i1 to i32
    %sign3A_414 = arith.constant 0 : i32
    %sign3A_415 = arith.cmpi slt, %jit3A_402, %sign3A_414 : i32
    %sign3A_416 = arith.extui %sign3A_415 : i1 to i32
    %sign3A_417 = arith.subi %sign3A_413, %sign3A_416 : i32
    %ne3A_418 = arith.cmpi ne, %sign3A_410, %sign3A_417 : i32
    %rem3A_419 = arith.remsi %squeeze3A_30, %jit3A_402 : i32
    %ne3A_420 = arith.constant 0 : i32
    %ne3A_421 = arith.cmpi ne, %rem3A_419, %ne3A_420 : i32
    %and3A_422 = arith.andi %ne3A_418, %ne3A_421 : i1
    %sub3A_423 = arith.constant 1 : i32
    %sub3A_424 = arith.subi %div3A_403, %sub3A_423 : i32
    %select_n3A_425 = arith.select %and3A_422, %sub3A_424, %div3A_403 : i32
    %mul3A_426 = arith.constant 128 : i32
    %mul3A_427 = arith.muli %select_n3A_425, %mul3A_426 : i32
    %sub3A_428 = arith.subi %squeeze3A_30, %mul3A_427 : i32
    %eq3A_429 = vector.broadcast %sub3A_428 : i32 to vector<1x128xi32>
    %eq3A_430 = arith.cmpi eq, %iota3A, %eq3A_429 : vector<1x128xi32>
    %get3A_431 = arith.constant 7 : index
    %get3A_432 = arith.index_cast %select_n3A_425 : i32 to index
    %get3A_433 = arith.constant 0 : index
    %get3A_434 = vector.load %arg0[%get3A_431, %get3A_432, %get3A_433] : memref<8x64x128xf32, #tpu.memory_space<vmem>>, vector<1x1x128xf32>
    %get3A_435 = vector.shape_cast %get3A_434 : vector<1x1x128xf32> to vector<1x128xf32>
    %jit3A_436 = arith.constant 0.000000e+00 : f32
    %broadcast_in_dim3A_437 = vector.broadcast %jit3A_436 : f32 to vector<1x128xf32>
    %select_n3A_438 = arith.select %eq3A_430, %get3A_435, %broadcast_in_dim3A_437 : vector<1x128xi1>, vector<1x128xf32>
    %get3A_439 = arith.constant 7 : index
    %get3A_440 = arith.index_cast %select_n3A_425 : i32 to index
    %get3A_441 = arith.constant 0 : index
    %get3A_442 = vector.load %arg1[%get3A_439, %get3A_440, %get3A_441] : memref<8x64x128xf32, #tpu.memory_space<vmem>>, vector<1x1x128xf32>
    %get3A_443 = vector.shape_cast %get3A_442 : vector<1x1x128xf32> to vector<1x128xf32>
    %jit3A_444 = arith.constant 0.000000e+00 : f32
    %broadcast_in_dim3A_445 = vector.broadcast %jit3A_444 : f32 to vector<1x128xf32>
    %select_n3A_446 = arith.select %eq3A_430, %get3A_443, %broadcast_in_dim3A_445 : vector<1x128xi1>, vector<1x128xf32>
    %get3A_447 = arith.constant 7 : index
    %get3A_448 = arith.index_cast %select_n3A_425 : i32 to index
    %get3A_449 = arith.constant 0 : index
    %get3A_450 = vector.load %arg2[%get3A_447, %get3A_448, %get3A_449] : memref<8x64x128xf32, #tpu.memory_space<vmem>>, vector<1x1x128xf32>
    %get3A_451 = vector.shape_cast %get3A_450 : vector<1x1x128xf32> to vector<1x128xf32>
    %jit3A_452 = arith.constant 0.000000e+00 : f32
    %broadcast_in_dim3A_453 = vector.broadcast %jit3A_452 : f32 to vector<1x128xf32>
    %select_n3A_454 = arith.select %eq3A_430, %get3A_451, %broadcast_in_dim3A_453 : vector<1x128xi1>, vector<1x128xf32>
    %concatenate3A = tpu.concatenate %select_n3A_67, %select_n3A_120, %select_n3A_173, %select_n3A_226, %select_n3A_279, %select_n3A_332, %select_n3A_385, %select_n3A_438 in 0 : vector<1x128xf32>, vector<1x128xf32>, vector<1x128xf32>, vector<1x128xf32>, vector<1x128xf32>, vector<1x128xf32>, vector<1x128xf32>, vector<1x128xf32> -> vector<8x128xf32>
    %dot_general3A = arith.constant dense<0.000000e+00> : vector<8x128xf32>
    %dot_general3A_455 = tpu.matmul %concatenate3A, %broadcast_in_dim3A_1, %dot_general3A {dimension_numbers = #tpu.dot_dimension_numbers<[1], [0], [0], [1], [0, 0, 1, 1], [], []>, precision = #tpu.contract_precision<fp32>, transpose_lhs_hint = false} : vector<8x128xf32>, vector<128x128xf32>, vector<8x128xf32> -> vector<8x128xf32>
    %concatenate3A_456 = tpu.concatenate %select_n3A_75, %select_n3A_128, %select_n3A_181, %select_n3A_234, %select_n3A_287, %select_n3A_340, %select_n3A_393, %select_n3A_446 in 0 : vector<1x128xf32>, vector<1x128xf32>, vector<1x128xf32>, vector<1x128xf32>, vector<1x128xf32>, vector<1x128xf32>, vector<1x128xf32>, vector<1x128xf32> -> vector<8x128xf32>
    %dot_general3A_457 = arith.constant dense<0.000000e+00> : vector<8x128xf32>
    %dot_general3A_458 = tpu.matmul %concatenate3A_456, %broadcast_in_dim3A_1, %dot_general3A_457 {dimension_numbers = #tpu.dot_dimension_numbers<[1], [0], [0], [1], [0, 0, 1, 1], [], []>, precision = #tpu.contract_precision<fp32>, transpose_lhs_hint = false} : vector<8x128xf32>, vector<128x128xf32>, vector<8x128xf32> -> vector<8x128xf32>
    %concatenate3A_459 = tpu.concatenate %select_n3A_83, %select_n3A_136, %select_n3A_189, %select_n3A_242, %select_n3A_295, %select_n3A_348, %select_n3A_401, %select_n3A_454 in 0 : vector<1x128xf32>, vector<1x128xf32>, vector<1x128xf32>, vector<1x128xf32>, vector<1x128xf32>, vector<1x128xf32>, vector<1x128xf32>, vector<1x128xf32> -> vector<8x128xf32>
    %dot_general3A_460 = arith.constant dense<0.000000e+00> : vector<8x128xf32>
    %dot_general3A_461 = tpu.matmul %concatenate3A_459, %broadcast_in_dim3A_1, %dot_general3A_460 {dimension_numbers = #tpu.dot_dimension_numbers<[1], [0], [0], [1], [0, 0, 1, 1], [], []>, precision = #tpu.contract_precision<fp32>, transpose_lhs_hint = false} : vector<8x128xf32>, vector<128x128xf32>, vector<8x128xf32> -> vector<8x128xf32>
    %broadcast_in_dim3A_462 = vector.shape_cast %broadcast_in_dim3A_8 : vector<8x1xi32> to vector<8x1xi32>
    %broadcast_in_dim3A_463 = vector.broadcast %broadcast_in_dim3A_462 : vector<8x1xi32> to vector<8x128xi32>
    %add3A_464 = arith.addi %broadcast_in_dim3A_463, %mul3A_39 : vector<8x128xi32>
    %select_n3A_465 = arith.select %broadcast_in_dim3A_34, %add3A_464, %broadcast_in_dim3A_10 : vector<8x128xi1>, vector<8x128xi32>
    %select_n3A_466 = arith.select %broadcast_in_dim3A_34, %dot_general3A_455, %broadcast_in_dim3A_12 : vector<8x128xi1>, vector<8x128xf32>
    %select_n3A_467 = arith.select %broadcast_in_dim3A_34, %dot_general3A_458, %broadcast_in_dim3A_14 : vector<8x128xi1>, vector<8x128xf32>
    %select_n3A_468 = arith.select %broadcast_in_dim3A_34, %dot_general3A_461, %broadcast_in_dim3A_16 : vector<8x128xi1>, vector<8x128xf32>
    %get3A_469 = arith.constant 0 : index
    %get3A_470 = arith.constant 0 : index
    %get3A_471 = arith.constant 0 : index
    %get3A_472 = vector.load %arg0[%get3A_469, %get3A_470, %get3A_471] : memref<8x64x128xf32, #tpu.memory_space<vmem>>, vector<8x64x128xf32>
    %broadcast_in_dim3A_473 = vector.shape_cast %dot_general3A_455 : vector<8x128xf32> to vector<8x1x128xf32>
    %broadcast_in_dim3A_474 = vector.shape_cast %broadcast_in_dim3A_473 : vector<8x1x128xf32> to vector<8x1x128xf32>
    %broadcast_in_dim3A_475 = vector.broadcast %broadcast_in_dim3A_474 : vector<8x1x128xf32> to vector<8x64x128xf32>
    %sub3A_476 = arith.subf %get3A_472, %broadcast_in_dim3A_475 : vector<8x64x128xf32>
    %get3A_477 = arith.constant 0 : index
    %get3A_478 = arith.constant 0 : index
    %get3A_479 = arith.constant 0 : index
    %get3A_480 = vector.load %arg1[%get3A_477, %get3A_478, %get3A_479] : memref<8x64x128xf32, #tpu.memory_space<vmem>>, vector<8x64x128xf32>
    %broadcast_in_dim3A_481 = vector.shape_cast %dot_general3A_458 : vector<8x128xf32> to vector<8x1x128xf32>
    %broadcast_in_dim3A_482 = vector.shape_cast %broadcast_in_dim3A_481 : vector<8x1x128xf32> to vector<8x1x128xf32>
    %broadcast_in_dim3A_483 = vector.broadcast %broadcast_in_dim3A_482 : vector<8x1x128xf32> to vector<8x64x128xf32>
    %sub3A_484 = arith.subf %get3A_480, %broadcast_in_dim3A_483 : vector<8x64x128xf32>
    %get3A_485 = arith.constant 0 : index
    %get3A_486 = arith.constant 0 : index
    %get3A_487 = arith.constant 0 : index
    %get3A_488 = vector.load %arg2[%get3A_485, %get3A_486, %get3A_487] : memref<8x64x128xf32, #tpu.memory_space<vmem>>, vector<8x64x128xf32>
    %broadcast_in_dim3A_489 = vector.shape_cast %dot_general3A_461 : vector<8x128xf32> to vector<8x1x128xf32>
    %broadcast_in_dim3A_490 = vector.shape_cast %broadcast_in_dim3A_489 : vector<8x1x128xf32> to vector<8x1x128xf32>
    %broadcast_in_dim3A_491 = vector.broadcast %broadcast_in_dim3A_490 : vector<8x1x128xf32> to vector<8x64x128xf32>
    %sub3A_492 = arith.subf %get3A_488, %broadcast_in_dim3A_491 : vector<8x64x128xf32>
    %mul3A_493 = arith.mulf %sub3A_476, %sub3A_476 : vector<8x64x128xf32>
    %mul3A_494 = arith.mulf %sub3A_484, %sub3A_484 : vector<8x64x128xf32>
    %add3A_495 = arith.addf %mul3A_493, %mul3A_494 : vector<8x64x128xf32>
    %mul3A_496 = arith.mulf %sub3A_492, %sub3A_492 : vector<8x64x128xf32>
    %add3A_497 = arith.addf %add3A_495, %mul3A_496 : vector<8x64x128xf32>
    %get3A_498 = arith.constant 0 : index
    %get3A_499 = arith.constant 0 : index
    %get3A_500 = arith.constant 0 : index
    %get3A_501 = vector.load %arg7[%get3A_498, %get3A_499, %get3A_500] : memref<8x64x128xf32, #tpu.memory_space<vmem>>, vector<8x64x128xf32>
    %min3A = arith.minimumf %get3A_501, %add3A_497 : vector<8x64x128xf32>
    %swap3A_502 = arith.constant 0 : index
    %swap3A_503 = arith.constant 0 : index
    %swap3A_504 = arith.constant 0 : index
    %swap3A_505 = vector.load %arg7[%swap3A_502, %swap3A_503, %swap3A_504] : memref<8x64x128xf32, #tpu.memory_space<vmem>>, vector<8x64x128xf32>
    tpu.vector_store %arg7[%swap3A_502, %swap3A_503, %swap3A_504], %min3A {strides = array<i32>} : memref<8x64x128xf32, #tpu.memory_space<vmem>>, vector<8x64x128xf32>,
    %reduce_max3A = arith.constant dense<0xFF800000> : vector<8x128xf32>
    %reduce_max3A_506 = vector.multi_reduction <maximumf>, %min3A, %reduce_max3A [1] : vector<8x64x128xf32> to vector<8x128xf32>
    %broadcast_in_dim3A_507 = vector.shape_cast %reduce_max3A_506 : vector<8x128xf32> to vector<8x1x128xf32>
    %broadcast_in_dim3A_508 = vector.shape_cast %broadcast_in_dim3A_507 : vector<8x1x128xf32> to vector<8x1x128xf32>
    %broadcast_in_dim3A_509 = vector.broadcast %broadcast_in_dim3A_508 : vector<8x1x128xf32> to vector<8x64x128xf32>
    %eq3A_510 = arith.cmpf oeq, %min3A, %broadcast_in_dim3A_509 : vector<8x64x128xf32>
    %jit3A_511 = arith.constant 1073741824 : i32
    %broadcast_in_dim3A_512 = vector.broadcast %jit3A_511 : i32 to vector<8x64x128xi32>
    %select_n3A_513 = arith.select %eq3A_510, %iota3A_0, %broadcast_in_dim3A_512 : vector<8x64x128xi1>, vector<8x64x128xi32>
    %reduce_min3A = arith.constant dense<2147483647> : vector<8x128xi32>
    %reduce_min3A_514 = vector.multi_reduction <minsi>, %select_n3A_513, %reduce_min3A [1] : vector<8x64x128xi32> to vector<8x128xi32>
    %slice3A_515 = vector.extract_strided_slice %select_n3A_465 {offsets = [0, 0], sizes = [1, 128], strides = [1, 1]} : vector<8x128xi32> to vector<1x128xi32>
    %swap3A_516 = arith.constant 0 : index
    %swap3A_517 = arith.constant 0 : index
    %swap3A_518 = arith.constant 0 : index
    %swap3A_519 = vector.load %arg3[%swap3A_516, %swap3A_517, %swap3A_518] : memref<8x8x128xi32, #tpu.memory_space<vmem>>, vector<1x1x128xi32>
    %swap3A_520 = vector.shape_cast %swap3A_519 : vector<1x1x128xi32> to vector<1x128xi32>
    %swap3A_521 = vector.shape_cast %slice3A_515 : vector<1x128xi32> to vector<1x1x128xi32>
    tpu.vector_store %arg3[%swap3A_516, %swap3A_517, %swap3A_518], %swap3A_521 {strides = array<i32>} : memref<8x8x128xi32, #tpu.memory_space<vmem>>, vector<1x1x128xi32>,
    %slice3A_522 = vector.extract_strided_slice %select_n3A_466 {offsets = [0, 0], sizes = [1, 128], strides = [1, 1]} : vector<8x128xf32> to vector<1x128xf32>
    %swap3A_523 = arith.constant 0 : index
    %swap3A_524 = arith.constant 0 : index
    %swap3A_525 = arith.constant 0 : index
    %swap3A_526 = vector.load %arg4[%swap3A_523, %swap3A_524, %swap3A_525] : memref<8x8x128xf32, #tpu.memory_space<vmem>>, vector<1x1x128xf32>
    %swap3A_527 = vector.shape_cast %swap3A_526 : vector<1x1x128xf32> to vector<1x128xf32>
    %swap3A_528 = vector.shape_cast %slice3A_522 : vector<1x128xf32> to vector<1x1x128xf32>
    tpu.vector_store %arg4[%swap3A_523, %swap3A_524, %swap3A_525], %swap3A_528 {strides = array<i32>} : memref<8x8x128xf32, #tpu.memory_space<vmem>>, vector<1x1x128xf32>,
    %slice3A_529 = vector.extract_strided_slice %select_n3A_467 {offsets = [0, 0], sizes = [1, 128], strides = [1, 1]} : vector<8x128xf32> to vector<1x128xf32>
    %swap3A_530 = arith.constant 0 : index
    %swap3A_531 = arith.constant 0 : index
    %swap3A_532 = arith.constant 0 : index
    %swap3A_533 = vector.load %arg5[%swap3A_530, %swap3A_531, %swap3A_532] : memref<8x8x128xf32, #tpu.memory_space<vmem>>, vector<1x1x128xf32>
    %swap3A_534 = vector.shape_cast %swap3A_533 : vector<1x1x128xf32> to vector<1x128xf32>
    %swap3A_535 = vector.shape_cast %slice3A_529 : vector<1x128xf32> to vector<1x1x128xf32>
    tpu.vector_store %arg5[%swap3A_530, %swap3A_531, %swap3A_532], %swap3A_535 {strides = array<i32>} : memref<8x8x128xf32, #tpu.memory_space<vmem>>, vector<1x1x128xf32>,
    %slice3A_536 = vector.extract_strided_slice %select_n3A_468 {offsets = [0, 0], sizes = [1, 128], strides = [1, 1]} : vector<8x128xf32> to vector<1x128xf32>
    %swap3A_537 = arith.constant 0 : index
    %swap3A_538 = arith.constant 0 : index
    %swap3A_539 = arith.constant 0 : index
    %swap3A_540 = vector.load %arg6[%swap3A_537, %swap3A_538, %swap3A_539] : memref<8x8x128xf32, #tpu.memory_space<vmem>>, vector<1x1x128xf32>
    %swap3A_541 = vector.shape_cast %swap3A_540 : vector<1x1x128xf32> to vector<1x128xf32>
    %swap3A_542 = vector.shape_cast %slice3A_536 : vector<1x128xf32> to vector<1x1x128xf32>
    tpu.vector_store %arg6[%swap3A_537, %swap3A_538, %swap3A_539], %swap3A_542 {strides = array<i32>} : memref<8x8x128xf32, #tpu.memory_space<vmem>>, vector<1x1x128xf32>,
    %slice3A_543 = vector.extract_strided_slice %select_n3A_465 {offsets = [1, 0], sizes = [1, 128], strides = [1, 1]} : vector<8x128xi32> to vector<1x128xi32>
    %swap3A_544 = arith.constant 1 : index
    %swap3A_545 = arith.constant 0 : index
    %swap3A_546 = arith.constant 0 : index
    %swap3A_547 = vector.load %arg3[%swap3A_544, %swap3A_545, %swap3A_546] : memref<8x8x128xi32, #tpu.memory_space<vmem>>, vector<1x1x128xi32>
    %swap3A_548 = vector.shape_cast %swap3A_547 : vector<1x1x128xi32> to vector<1x128xi32>
    %swap3A_549 = vector.shape_cast %slice3A_543 : vector<1x128xi32> to vector<1x1x128xi32>
    tpu.vector_store %arg3[%swap3A_544, %swap3A_545, %swap3A_546], %swap3A_549 {strides = array<i32>} : memref<8x8x128xi32, #tpu.memory_space<vmem>>, vector<1x1x128xi32>,
    %slice3A_550 = vector.extract_strided_slice %select_n3A_466 {offsets = [1, 0], sizes = [1, 128], strides = [1, 1]} : vector<8x128xf32> to vector<1x128xf32>
    %swap3A_551 = arith.constant 1 : index
    %swap3A_552 = arith.constant 0 : index
    %swap3A_553 = arith.constant 0 : index
    %swap3A_554 = vector.load %arg4[%swap3A_551, %swap3A_552, %swap3A_553] : memref<8x8x128xf32, #tpu.memory_space<vmem>>, vector<1x1x128xf32>
    %swap3A_555 = vector.shape_cast %swap3A_554 : vector<1x1x128xf32> to vector<1x128xf32>
    %swap3A_556 = vector.shape_cast %slice3A_550 : vector<1x128xf32> to vector<1x1x128xf32>
    tpu.vector_store %arg4[%swap3A_551, %swap3A_552, %swap3A_553], %swap3A_556 {strides = array<i32>} : memref<8x8x128xf32, #tpu.memory_space<vmem>>, vector<1x1x128xf32>,
    %slice3A_557 = vector.extract_strided_slice %select_n3A_467 {offsets = [1, 0], sizes = [1, 128], strides = [1, 1]} : vector<8x128xf32> to vector<1x128xf32>
    %swap3A_558 = arith.constant 1 : index
    %swap3A_559 = arith.constant 0 : index
    %swap3A_560 = arith.constant 0 : index
    %swap3A_561 = vector.load %arg5[%swap3A_558, %swap3A_559, %swap3A_560] : memref<8x8x128xf32, #tpu.memory_space<vmem>>, vector<1x1x128xf32>
    %swap3A_562 = vector.shape_cast %swap3A_561 : vector<1x1x128xf32> to vector<1x128xf32>
    %swap3A_563 = vector.shape_cast %slice3A_557 : vector<1x128xf32> to vector<1x1x128xf32>
    tpu.vector_store %arg5[%swap3A_558, %swap3A_559, %swap3A_560], %swap3A_563 {strides = array<i32>} : memref<8x8x128xf32, #tpu.memory_space<vmem>>, vector<1x1x128xf32>,
    %slice3A_564 = vector.extract_strided_slice %select_n3A_468 {offsets = [1, 0], sizes = [1, 128], strides = [1, 1]} : vector<8x128xf32> to vector<1x128xf32>
    %swap3A_565 = arith.constant 1 : index
    %swap3A_566 = arith.constant 0 : index
    %swap3A_567 = arith.constant 0 : index
    %swap3A_568 = vector.load %arg6[%swap3A_565, %swap3A_566, %swap3A_567] : memref<8x8x128xf32, #tpu.memory_space<vmem>>, vector<1x1x128xf32>
    %swap3A_569 = vector.shape_cast %swap3A_568 : vector<1x1x128xf32> to vector<1x128xf32>
    %swap3A_570 = vector.shape_cast %slice3A_564 : vector<1x128xf32> to vector<1x1x128xf32>
    tpu.vector_store %arg6[%swap3A_565, %swap3A_566, %swap3A_567], %swap3A_570 {strides = array<i32>} : memref<8x8x128xf32, #tpu.memory_space<vmem>>, vector<1x1x128xf32>,
    %slice3A_571 = vector.extract_strided_slice %select_n3A_465 {offsets = [2, 0], sizes = [1, 128], strides = [1, 1]} : vector<8x128xi32> to vector<1x128xi32>
    %swap3A_572 = arith.constant 2 : index
    %swap3A_573 = arith.constant 0 : index
    %swap3A_574 = arith.constant 0 : index
    %swap3A_575 = vector.load %arg3[%swap3A_572, %swap3A_573, %swap3A_574] : memref<8x8x128xi32, #tpu.memory_space<vmem>>, vector<1x1x128xi32>
    %swap3A_576 = vector.shape_cast %swap3A_575 : vector<1x1x128xi32> to vector<1x128xi32>
    %swap3A_577 = vector.shape_cast %slice3A_571 : vector<1x128xi32> to vector<1x1x128xi32>
    tpu.vector_store %arg3[%swap3A_572, %swap3A_573, %swap3A_574], %swap3A_577 {strides = array<i32>} : memref<8x8x128xi32, #tpu.memory_space<vmem>>, vector<1x1x128xi32>,
    %slice3A_578 = vector.extract_strided_slice %select_n3A_466 {offsets = [2, 0], sizes = [1, 128], strides = [1, 1]} : vector<8x128xf32> to vector<1x128xf32>
    %swap3A_579 = arith.constant 2 : index
    %swap3A_580 = arith.constant 0 : index
    %swap3A_581 = arith.constant 0 : index
    %swap3A_582 = vector.load %arg4[%swap3A_579, %swap3A_580, %swap3A_581] : memref<8x8x128xf32, #tpu.memory_space<vmem>>, vector<1x1x128xf32>
    %swap3A_583 = vector.shape_cast %swap3A_582 : vector<1x1x128xf32> to vector<1x128xf32>
    %swap3A_584 = vector.shape_cast %slice3A_578 : vector<1x128xf32> to vector<1x1x128xf32>
    tpu.vector_store %arg4[%swap3A_579, %swap3A_580, %swap3A_581], %swap3A_584 {strides = array<i32>} : memref<8x8x128xf32, #tpu.memory_space<vmem>>, vector<1x1x128xf32>,
    %slice3A_585 = vector.extract_strided_slice %select_n3A_467 {offsets = [2, 0], sizes = [1, 128], strides = [1, 1]} : vector<8x128xf32> to vector<1x128xf32>
    %swap3A_586 = arith.constant 2 : index
    %swap3A_587 = arith.constant 0 : index
    %swap3A_588 = arith.constant 0 : index
    %swap3A_589 = vector.load %arg5[%swap3A_586, %swap3A_587, %swap3A_588] : memref<8x8x128xf32, #tpu.memory_space<vmem>>, vector<1x1x128xf32>
    %swap3A_590 = vector.shape_cast %swap3A_589 : vector<1x1x128xf32> to vector<1x128xf32>
    %swap3A_591 = vector.shape_cast %slice3A_585 : vector<1x128xf32> to vector<1x1x128xf32>
    tpu.vector_store %arg5[%swap3A_586, %swap3A_587, %swap3A_588], %swap3A_591 {strides = array<i32>} : memref<8x8x128xf32, #tpu.memory_space<vmem>>, vector<1x1x128xf32>,
    %slice3A_592 = vector.extract_strided_slice %select_n3A_468 {offsets = [2, 0], sizes = [1, 128], strides = [1, 1]} : vector<8x128xf32> to vector<1x128xf32>
    %swap3A_593 = arith.constant 2 : index
    %swap3A_594 = arith.constant 0 : index
    %swap3A_595 = arith.constant 0 : index
    %swap3A_596 = vector.load %arg6[%swap3A_593, %swap3A_594, %swap3A_595] : memref<8x8x128xf32, #tpu.memory_space<vmem>>, vector<1x1x128xf32>
    %swap3A_597 = vector.shape_cast %swap3A_596 : vector<1x1x128xf32> to vector<1x128xf32>
    %swap3A_598 = vector.shape_cast %slice3A_592 : vector<1x128xf32> to vector<1x1x128xf32>
    tpu.vector_store %arg6[%swap3A_593, %swap3A_594, %swap3A_595], %swap3A_598 {strides = array<i32>} : memref<8x8x128xf32, #tpu.memory_space<vmem>>, vector<1x1x128xf32>,
    %slice3A_599 = vector.extract_strided_slice %select_n3A_465 {offsets = [3, 0], sizes = [1, 128], strides = [1, 1]} : vector<8x128xi32> to vector<1x128xi32>
    %swap3A_600 = arith.constant 3 : index
    %swap3A_601 = arith.constant 0 : index
    %swap3A_602 = arith.constant 0 : index
    %swap3A_603 = vector.load %arg3[%swap3A_600, %swap3A_601, %swap3A_602] : memref<8x8x128xi32, #tpu.memory_space<vmem>>, vector<1x1x128xi32>
    %swap3A_604 = vector.shape_cast %swap3A_603 : vector<1x1x128xi32> to vector<1x128xi32>
    %swap3A_605 = vector.shape_cast %slice3A_599 : vector<1x128xi32> to vector<1x1x128xi32>
    tpu.vector_store %arg3[%swap3A_600, %swap3A_601, %swap3A_602], %swap3A_605 {strides = array<i32>} : memref<8x8x128xi32, #tpu.memory_space<vmem>>, vector<1x1x128xi32>,
    %slice3A_606 = vector.extract_strided_slice %select_n3A_466 {offsets = [3, 0], sizes = [1, 128], strides = [1, 1]} : vector<8x128xf32> to vector<1x128xf32>
    %swap3A_607 = arith.constant 3 : index
    %swap3A_608 = arith.constant 0 : index
    %swap3A_609 = arith.constant 0 : index
    %swap3A_610 = vector.load %arg4[%swap3A_607, %swap3A_608, %swap3A_609] : memref<8x8x128xf32, #tpu.memory_space<vmem>>, vector<1x1x128xf32>
    %swap3A_611 = vector.shape_cast %swap3A_610 : vector<1x1x128xf32> to vector<1x128xf32>
    %swap3A_612 = vector.shape_cast %slice3A_606 : vector<1x128xf32> to vector<1x1x128xf32>
    tpu.vector_store %arg4[%swap3A_607, %swap3A_608, %swap3A_609], %swap3A_612 {strides = array<i32>} : memref<8x8x128xf32, #tpu.memory_space<vmem>>, vector<1x1x128xf32>,
    %slice3A_613 = vector.extract_strided_slice %select_n3A_467 {offsets = [3, 0], sizes = [1, 128], strides = [1, 1]} : vector<8x128xf32> to vector<1x128xf32>
    %swap3A_614 = arith.constant 3 : index
    %swap3A_615 = arith.constant 0 : index
    %swap3A_616 = arith.constant 0 : index
    %swap3A_617 = vector.load %arg5[%swap3A_614, %swap3A_615, %swap3A_616] : memref<8x8x128xf32, #tpu.memory_space<vmem>>, vector<1x1x128xf32>
    %swap3A_618 = vector.shape_cast %swap3A_617 : vector<1x1x128xf32> to vector<1x128xf32>
    %swap3A_619 = vector.shape_cast %slice3A_613 : vector<1x128xf32> to vector<1x1x128xf32>
    tpu.vector_store %arg5[%swap3A_614, %swap3A_615, %swap3A_616], %swap3A_619 {strides = array<i32>} : memref<8x8x128xf32, #tpu.memory_space<vmem>>, vector<1x1x128xf32>,
    %slice3A_620 = vector.extract_strided_slice %select_n3A_468 {offsets = [3, 0], sizes = [1, 128], strides = [1, 1]} : vector<8x128xf32> to vector<1x128xf32>
    %swap3A_621 = arith.constant 3 : index
    %swap3A_622 = arith.constant 0 : index
    %swap3A_623 = arith.constant 0 : index
    %swap3A_624 = vector.load %arg6[%swap3A_621, %swap3A_622, %swap3A_623] : memref<8x8x128xf32, #tpu.memory_space<vmem>>, vector<1x1x128xf32>
    %swap3A_625 = vector.shape_cast %swap3A_624 : vector<1x1x128xf32> to vector<1x128xf32>
    %swap3A_626 = vector.shape_cast %slice3A_620 : vector<1x128xf32> to vector<1x1x128xf32>
    tpu.vector_store %arg6[%swap3A_621, %swap3A_622, %swap3A_623], %swap3A_626 {strides = array<i32>} : memref<8x8x128xf32, #tpu.memory_space<vmem>>, vector<1x1x128xf32>,
    %slice3A_627 = vector.extract_strided_slice %select_n3A_465 {offsets = [4, 0], sizes = [1, 128], strides = [1, 1]} : vector<8x128xi32> to vector<1x128xi32>
    %swap3A_628 = arith.constant 4 : index
    %swap3A_629 = arith.constant 0 : index
    %swap3A_630 = arith.constant 0 : index
    %swap3A_631 = vector.load %arg3[%swap3A_628, %swap3A_629, %swap3A_630] : memref<8x8x128xi32, #tpu.memory_space<vmem>>, vector<1x1x128xi32>
    %swap3A_632 = vector.shape_cast %swap3A_631 : vector<1x1x128xi32> to vector<1x128xi32>
    %swap3A_633 = vector.shape_cast %slice3A_627 : vector<1x128xi32> to vector<1x1x128xi32>
    tpu.vector_store %arg3[%swap3A_628, %swap3A_629, %swap3A_630], %swap3A_633 {strides = array<i32>} : memref<8x8x128xi32, #tpu.memory_space<vmem>>, vector<1x1x128xi32>,
    %slice3A_634 = vector.extract_strided_slice %select_n3A_466 {offsets = [4, 0], sizes = [1, 128], strides = [1, 1]} : vector<8x128xf32> to vector<1x128xf32>
    %swap3A_635 = arith.constant 4 : index
    %swap3A_636 = arith.constant 0 : index
    %swap3A_637 = arith.constant 0 : index
    %swap3A_638 = vector.load %arg4[%swap3A_635, %swap3A_636, %swap3A_637] : memref<8x8x128xf32, #tpu.memory_space<vmem>>, vector<1x1x128xf32>
    %swap3A_639 = vector.shape_cast %swap3A_638 : vector<1x1x128xf32> to vector<1x128xf32>
    %swap3A_640 = vector.shape_cast %slice3A_634 : vector<1x128xf32> to vector<1x1x128xf32>
    tpu.vector_store %arg4[%swap3A_635, %swap3A_636, %swap3A_637], %swap3A_640 {strides = array<i32>} : memref<8x8x128xf32, #tpu.memory_space<vmem>>, vector<1x1x128xf32>,
    %slice3A_641 = vector.extract_strided_slice %select_n3A_467 {offsets = [4, 0], sizes = [1, 128], strides = [1, 1]} : vector<8x128xf32> to vector<1x128xf32>
    %swap3A_642 = arith.constant 4 : index
    %swap3A_643 = arith.constant 0 : index
    %swap3A_644 = arith.constant 0 : index
    %swap3A_645 = vector.load %arg5[%swap3A_642, %swap3A_643, %swap3A_644] : memref<8x8x128xf32, #tpu.memory_space<vmem>>, vector<1x1x128xf32>
    %swap3A_646 = vector.shape_cast %swap3A_645 : vector<1x1x128xf32> to vector<1x128xf32>
    %swap3A_647 = vector.shape_cast %slice3A_641 : vector<1x128xf32> to vector<1x1x128xf32>
    tpu.vector_store %arg5[%swap3A_642, %swap3A_643, %swap3A_644], %swap3A_647 {strides = array<i32>} : memref<8x8x128xf32, #tpu.memory_space<vmem>>, vector<1x1x128xf32>,
    %slice3A_648 = vector.extract_strided_slice %select_n3A_468 {offsets = [4, 0], sizes = [1, 128], strides = [1, 1]} : vector<8x128xf32> to vector<1x128xf32>
    %swap3A_649 = arith.constant 4 : index
    %swap3A_650 = arith.constant 0 : index
    %swap3A_651 = arith.constant 0 : index
    %swap3A_652 = vector.load %arg6[%swap3A_649, %swap3A_650, %swap3A_651] : memref<8x8x128xf32, #tpu.memory_space<vmem>>, vector<1x1x128xf32>
    %swap3A_653 = vector.shape_cast %swap3A_652 : vector<1x1x128xf32> to vector<1x128xf32>
    %swap3A_654 = vector.shape_cast %slice3A_648 : vector<1x128xf32> to vector<1x1x128xf32>
    tpu.vector_store %arg6[%swap3A_649, %swap3A_650, %swap3A_651], %swap3A_654 {strides = array<i32>} : memref<8x8x128xf32, #tpu.memory_space<vmem>>, vector<1x1x128xf32>,
    %slice3A_655 = vector.extract_strided_slice %select_n3A_465 {offsets = [5, 0], sizes = [1, 128], strides = [1, 1]} : vector<8x128xi32> to vector<1x128xi32>
    %swap3A_656 = arith.constant 5 : index
    %swap3A_657 = arith.constant 0 : index
    %swap3A_658 = arith.constant 0 : index
    %swap3A_659 = vector.load %arg3[%swap3A_656, %swap3A_657, %swap3A_658] : memref<8x8x128xi32, #tpu.memory_space<vmem>>, vector<1x1x128xi32>
    %swap3A_660 = vector.shape_cast %swap3A_659 : vector<1x1x128xi32> to vector<1x128xi32>
    %swap3A_661 = vector.shape_cast %slice3A_655 : vector<1x128xi32> to vector<1x1x128xi32>
    tpu.vector_store %arg3[%swap3A_656, %swap3A_657, %swap3A_658], %swap3A_661 {strides = array<i32>} : memref<8x8x128xi32, #tpu.memory_space<vmem>>, vector<1x1x128xi32>,
    %slice3A_662 = vector.extract_strided_slice %select_n3A_466 {offsets = [5, 0], sizes = [1, 128], strides = [1, 1]} : vector<8x128xf32> to vector<1x128xf32>
    %swap3A_663 = arith.constant 5 : index
    %swap3A_664 = arith.constant 0 : index
    %swap3A_665 = arith.constant 0 : index
    %swap3A_666 = vector.load %arg4[%swap3A_663, %swap3A_664, %swap3A_665] : memref<8x8x128xf32, #tpu.memory_space<vmem>>, vector<1x1x128xf32>
    %swap3A_667 = vector.shape_cast %swap3A_666 : vector<1x1x128xf32> to vector<1x128xf32>
    %swap3A_668 = vector.shape_cast %slice3A_662 : vector<1x128xf32> to vector<1x1x128xf32>
    tpu.vector_store %arg4[%swap3A_663, %swap3A_664, %swap3A_665], %swap3A_668 {strides = array<i32>} : memref<8x8x128xf32, #tpu.memory_space<vmem>>, vector<1x1x128xf32>,
    %slice3A_669 = vector.extract_strided_slice %select_n3A_467 {offsets = [5, 0], sizes = [1, 128], strides = [1, 1]} : vector<8x128xf32> to vector<1x128xf32>
    %swap3A_670 = arith.constant 5 : index
    %swap3A_671 = arith.constant 0 : index
    %swap3A_672 = arith.constant 0 : index
    %swap3A_673 = vector.load %arg5[%swap3A_670, %swap3A_671, %swap3A_672] : memref<8x8x128xf32, #tpu.memory_space<vmem>>, vector<1x1x128xf32>
    %swap3A_674 = vector.shape_cast %swap3A_673 : vector<1x1x128xf32> to vector<1x128xf32>
    %swap3A_675 = vector.shape_cast %slice3A_669 : vector<1x128xf32> to vector<1x1x128xf32>
    tpu.vector_store %arg5[%swap3A_670, %swap3A_671, %swap3A_672], %swap3A_675 {strides = array<i32>} : memref<8x8x128xf32, #tpu.memory_space<vmem>>, vector<1x1x128xf32>,
    %slice3A_676 = vector.extract_strided_slice %select_n3A_468 {offsets = [5, 0], sizes = [1, 128], strides = [1, 1]} : vector<8x128xf32> to vector<1x128xf32>
    %swap3A_677 = arith.constant 5 : index
    %swap3A_678 = arith.constant 0 : index
    %swap3A_679 = arith.constant 0 : index
    %swap3A_680 = vector.load %arg6[%swap3A_677, %swap3A_678, %swap3A_679] : memref<8x8x128xf32, #tpu.memory_space<vmem>>, vector<1x1x128xf32>
    %swap3A_681 = vector.shape_cast %swap3A_680 : vector<1x1x128xf32> to vector<1x128xf32>
    %swap3A_682 = vector.shape_cast %slice3A_676 : vector<1x128xf32> to vector<1x1x128xf32>
    tpu.vector_store %arg6[%swap3A_677, %swap3A_678, %swap3A_679], %swap3A_682 {strides = array<i32>} : memref<8x8x128xf32, #tpu.memory_space<vmem>>, vector<1x1x128xf32>,
    %slice3A_683 = vector.extract_strided_slice %select_n3A_465 {offsets = [6, 0], sizes = [1, 128], strides = [1, 1]} : vector<8x128xi32> to vector<1x128xi32>
    %swap3A_684 = arith.constant 6 : index
    %swap3A_685 = arith.constant 0 : index
    %swap3A_686 = arith.constant 0 : index
    %swap3A_687 = vector.load %arg3[%swap3A_684, %swap3A_685, %swap3A_686] : memref<8x8x128xi32, #tpu.memory_space<vmem>>, vector<1x1x128xi32>
    %swap3A_688 = vector.shape_cast %swap3A_687 : vector<1x1x128xi32> to vector<1x128xi32>
    %swap3A_689 = vector.shape_cast %slice3A_683 : vector<1x128xi32> to vector<1x1x128xi32>
    tpu.vector_store %arg3[%swap3A_684, %swap3A_685, %swap3A_686], %swap3A_689 {strides = array<i32>} : memref<8x8x128xi32, #tpu.memory_space<vmem>>, vector<1x1x128xi32>,
    %slice3A_690 = vector.extract_strided_slice %select_n3A_466 {offsets = [6, 0], sizes = [1, 128], strides = [1, 1]} : vector<8x128xf32> to vector<1x128xf32>
    %swap3A_691 = arith.constant 6 : index
    %swap3A_692 = arith.constant 0 : index
    %swap3A_693 = arith.constant 0 : index
    %swap3A_694 = vector.load %arg4[%swap3A_691, %swap3A_692, %swap3A_693] : memref<8x8x128xf32, #tpu.memory_space<vmem>>, vector<1x1x128xf32>
    %swap3A_695 = vector.shape_cast %swap3A_694 : vector<1x1x128xf32> to vector<1x128xf32>
    %swap3A_696 = vector.shape_cast %slice3A_690 : vector<1x128xf32> to vector<1x1x128xf32>
    tpu.vector_store %arg4[%swap3A_691, %swap3A_692, %swap3A_693], %swap3A_696 {strides = array<i32>} : memref<8x8x128xf32, #tpu.memory_space<vmem>>, vector<1x1x128xf32>,
    %slice3A_697 = vector.extract_strided_slice %select_n3A_467 {offsets = [6, 0], sizes = [1, 128], strides = [1, 1]} : vector<8x128xf32> to vector<1x128xf32>
    %swap3A_698 = arith.constant 6 : index
    %swap3A_699 = arith.constant 0 : index
    %swap3A_700 = arith.constant 0 : index
    %swap3A_701 = vector.load %arg5[%swap3A_698, %swap3A_699, %swap3A_700] : memref<8x8x128xf32, #tpu.memory_space<vmem>>, vector<1x1x128xf32>
    %swap3A_702 = vector.shape_cast %swap3A_701 : vector<1x1x128xf32> to vector<1x128xf32>
    %swap3A_703 = vector.shape_cast %slice3A_697 : vector<1x128xf32> to vector<1x1x128xf32>
    tpu.vector_store %arg5[%swap3A_698, %swap3A_699, %swap3A_700], %swap3A_703 {strides = array<i32>} : memref<8x8x128xf32, #tpu.memory_space<vmem>>, vector<1x1x128xf32>,
    %slice3A_704 = vector.extract_strided_slice %select_n3A_468 {offsets = [6, 0], sizes = [1, 128], strides = [1, 1]} : vector<8x128xf32> to vector<1x128xf32>
    %swap3A_705 = arith.constant 6 : index
    %swap3A_706 = arith.constant 0 : index
    %swap3A_707 = arith.constant 0 : index
    %swap3A_708 = vector.load %arg6[%swap3A_705, %swap3A_706, %swap3A_707] : memref<8x8x128xf32, #tpu.memory_space<vmem>>, vector<1x1x128xf32>
    %swap3A_709 = vector.shape_cast %swap3A_708 : vector<1x1x128xf32> to vector<1x128xf32>
    %swap3A_710 = vector.shape_cast %slice3A_704 : vector<1x128xf32> to vector<1x1x128xf32>
    tpu.vector_store %arg6[%swap3A_705, %swap3A_706, %swap3A_707], %swap3A_710 {strides = array<i32>} : memref<8x8x128xf32, #tpu.memory_space<vmem>>, vector<1x1x128xf32>,
    %slice3A_711 = vector.extract_strided_slice %select_n3A_465 {offsets = [7, 0], sizes = [1, 128], strides = [1, 1]} : vector<8x128xi32> to vector<1x128xi32>
    %swap3A_712 = arith.constant 7 : index
    %swap3A_713 = arith.constant 0 : index
    %swap3A_714 = arith.constant 0 : index
    %swap3A_715 = vector.load %arg3[%swap3A_712, %swap3A_713, %swap3A_714] : memref<8x8x128xi32, #tpu.memory_space<vmem>>, vector<1x1x128xi32>
    %swap3A_716 = vector.shape_cast %swap3A_715 : vector<1x1x128xi32> to vector<1x128xi32>
    %swap3A_717 = vector.shape_cast %slice3A_711 : vector<1x128xi32> to vector<1x1x128xi32>
    tpu.vector_store %arg3[%swap3A_712, %swap3A_713, %swap3A_714], %swap3A_717 {strides = array<i32>} : memref<8x8x128xi32, #tpu.memory_space<vmem>>, vector<1x1x128xi32>,
    %slice3A_718 = vector.extract_strided_slice %select_n3A_466 {offsets = [7, 0], sizes = [1, 128], strides = [1, 1]} : vector<8x128xf32> to vector<1x128xf32>
    %swap3A_719 = arith.constant 7 : index
    %swap3A_720 = arith.constant 0 : index
    %swap3A_721 = arith.constant 0 : index
    %swap3A_722 = vector.load %arg4[%swap3A_719, %swap3A_720, %swap3A_721] : memref<8x8x128xf32, #tpu.memory_space<vmem>>, vector<1x1x128xf32>
    %swap3A_723 = vector.shape_cast %swap3A_722 : vector<1x1x128xf32> to vector<1x128xf32>
    %swap3A_724 = vector.shape_cast %slice3A_718 : vector<1x128xf32> to vector<1x1x128xf32>
    tpu.vector_store %arg4[%swap3A_719, %swap3A_720, %swap3A_721], %swap3A_724 {strides = array<i32>} : memref<8x8x128xf32, #tpu.memory_space<vmem>>, vector<1x1x128xf32>,
    %slice3A_725 = vector.extract_strided_slice %select_n3A_467 {offsets = [7, 0], sizes = [1, 128], strides = [1, 1]} : vector<8x128xf32> to vector<1x128xf32>
    %swap3A_726 = arith.constant 7 : index
    %swap3A_727 = arith.constant 0 : index
    %swap3A_728 = arith.constant 0 : index
    %swap3A_729 = vector.load %arg5[%swap3A_726, %swap3A_727, %swap3A_728] : memref<8x8x128xf32, #tpu.memory_space<vmem>>, vector<1x1x128xf32>
    %swap3A_730 = vector.shape_cast %swap3A_729 : vector<1x1x128xf32> to vector<1x128xf32>
    %swap3A_731 = vector.shape_cast %slice3A_725 : vector<1x128xf32> to vector<1x1x128xf32>
    tpu.vector_store %arg5[%swap3A_726, %swap3A_727, %swap3A_728], %swap3A_731 {strides = array<i32>} : memref<8x8x128xf32, #tpu.memory_space<vmem>>, vector<1x1x128xf32>,
    %slice3A_732 = vector.extract_strided_slice %select_n3A_468 {offsets = [7, 0], sizes = [1, 128], strides = [1, 1]} : vector<8x128xf32> to vector<1x128xf32>
    %swap3A_733 = arith.constant 7 : index
    %swap3A_734 = arith.constant 0 : index
    %swap3A_735 = arith.constant 0 : index
    %swap3A_736 = vector.load %arg6[%swap3A_733, %swap3A_734, %swap3A_735] : memref<8x8x128xf32, #tpu.memory_space<vmem>>, vector<1x1x128xf32>
    %swap3A_737 = vector.shape_cast %swap3A_736 : vector<1x1x128xf32> to vector<1x128xf32>
    %swap3A_738 = vector.shape_cast %slice3A_732 : vector<1x128xf32> to vector<1x1x128xf32>
    tpu.vector_store %arg6[%swap3A_733, %swap3A_734, %swap3A_735], %swap3A_738 {strides = array<i32>} : memref<8x8x128xf32, #tpu.memory_space<vmem>>, vector<1x1x128xf32>,
    %reduce_max3A_739 = arith.constant dense<0xFF800000> : vector<8xf32>
    %reduce_max3A_740 = vector.multi_reduction <maximumf>, %reduce_max3A_506, %reduce_max3A_739 [1] : vector<8x128xf32> to vector<8xf32>
    %broadcast_in_dim3A_741 = vector.shape_cast %reduce_max3A_740 : vector<8xf32> to vector<8x1xf32>
    %mul3A_742 = arith.constant 128 : i32
    %mul3A_743 = vector.broadcast %mul3A_742 : i32 to vector<8x128xi32>
    %mul3A_744 = arith.muli %reduce_min3A_514, %mul3A_743 : vector<8x128xi32>
    %iota3A_745 = tpu.iota {dimensions = array<i32: 1>} : vector<8x128xi32>
    %add3A_746 = arith.addi %mul3A_744, %iota3A_745 : vector<8x128xi32>
    %convert_element_type3A = arith.sitofp %add3A_746 : vector<8x128xi32> to vector<8x128xf32>
    %broadcast_in_dim3A_747 = vector.shape_cast %broadcast_in_dim3A_741 : vector<8x1xf32> to vector<8x1xf32>
    %broadcast_in_dim3A_748 = vector.broadcast %broadcast_in_dim3A_747 : vector<8x1xf32> to vector<8x128xf32>
    %eq3A_749 = arith.cmpf oeq, %reduce_max3A_506, %broadcast_in_dim3A_748 : vector<8x128xf32>
    %jit3A_750 = arith.constant 1.07374182E+9 : f32
    %broadcast_in_dim3A_751 = vector.broadcast %jit3A_750 : f32 to vector<8x128xf32>
    %select_n3A_752 = arith.select %eq3A_749, %convert_element_type3A, %broadcast_in_dim3A_751 : vector<8x128xi1>, vector<8x128xf32>
    %reduce_min3A_753 = arith.constant dense<0x7F800000> : vector<8xf32>
    %reduce_min3A_754 = vector.multi_reduction <minimumf>, %select_n3A_752, %reduce_min3A_753 [1] : vector<8x128xf32> to vector<8xf32>
    %broadcast_in_dim3A_755 = vector.shape_cast %reduce_min3A_754 : vector<8xf32> to vector<8x1xf32>
    %convert_element_type3A_756 = arith.fptosi %broadcast_in_dim3A_755 : vector<8x1xf32> to vector<8x1xi32>
    %scan3A = arith.constant 0 : i32
    %scan3A_757 = arith.constant 1023 : i32
    %scan3A_758 = arith.addi %scan3A, %scan3A_757 : i32
    %scan3A_759 = arith.constant 1 : i32
    %scan3A_760:5 = scf.for %scan3A_762 = %scan3A to %scan3A_758 step %scan3A_759 iter_args(%scan3A_763 = %convert_element_type3A_756, %scan3A_764 = %select_n3A_465, %scan3A_765 = %select_n3A_466, %scan3A_766 = %select_n3A_467, %scan3A_767 = %select_n3A_468) -> (vector<8x1xi32>, vector<8x128xi32>, vector<8x128xf32>, vector<8x128xf32>, vector<8x128xf32>)  : i32 {
      %add3A_768 = arith.constant 1 : i32
      %add3A_769 = arith.addi %scan3A_762, %add3A_768 : i32
      %slice3A_770 = vector.extract_strided_slice %scan3A_763 {offsets = [0, 0], sizes = [1, 1], strides = [1, 1]} : vector<8x1xi32> to vector<1x1xi32>
      %squeeze3A_771 = vector.extract %slice3A_770[0, 0] : i32 from vector<1x1xi32>
      %slice3A_772 = vector.extract_strided_slice %scan3A_763 {offsets = [1, 0], sizes = [1, 1], strides = [1, 1]} : vector<8x1xi32> to vector<1x1xi32>
      %squeeze3A_773 = vector.extract %slice3A_772[0, 0] : i32 from vector<1x1xi32>
      %slice3A_774 = vector.extract_strided_slice %scan3A_763 {offsets = [2, 0], sizes = [1, 1], strides = [1, 1]} : vector<8x1xi32> to vector<1x1xi32>
      %squeeze3A_775 = vector.extract %slice3A_774[0, 0] : i32 from vector<1x1xi32>
      %slice3A_776 = vector.extract_strided_slice %scan3A_763 {offsets = [3, 0], sizes = [1, 1], strides = [1, 1]} : vector<8x1xi32> to vector<1x1xi32>
      %squeeze3A_777 = vector.extract %slice3A_776[0, 0] : i32 from vector<1x1xi32>
      %slice3A_778 = vector.extract_strided_slice %scan3A_763 {offsets = [4, 0], sizes = [1, 1], strides = [1, 1]} : vector<8x1xi32> to vector<1x1xi32>
      %squeeze3A_779 = vector.extract %slice3A_778[0, 0] : i32 from vector<1x1xi32>
      %slice3A_780 = vector.extract_strided_slice %scan3A_763 {offsets = [5, 0], sizes = [1, 1], strides = [1, 1]} : vector<8x1xi32> to vector<1x1xi32>
      %squeeze3A_781 = vector.extract %slice3A_780[0, 0] : i32 from vector<1x1xi32>
      %slice3A_782 = vector.extract_strided_slice %scan3A_763 {offsets = [6, 0], sizes = [1, 1], strides = [1, 1]} : vector<8x1xi32> to vector<1x1xi32>
      %squeeze3A_783 = vector.extract %slice3A_782[0, 0] : i32 from vector<1x1xi32>
      %slice3A_784 = vector.extract_strided_slice %scan3A_763 {offsets = [7, 0], sizes = [1, 1], strides = [1, 1]} : vector<8x1xi32> to vector<1x1xi32>
      %squeeze3A_785 = vector.extract %slice3A_784[0, 0] : i32 from vector<1x1xi32>
      %jit3A_786 = arith.constant 128 : i32
      %div3A_787 = arith.divsi %add3A_769, %jit3A_786 : i32
      %sign3A_788 = arith.constant 0 : i32
      %sign3A_789 = arith.cmpi sgt, %add3A_769, %sign3A_788 : i32
      %sign3A_790 = arith.extui %sign3A_789 : i1 to i32
      %sign3A_791 = arith.constant 0 : i32
      %sign3A_792 = arith.cmpi slt, %add3A_769, %sign3A_791 : i32
      %sign3A_793 = arith.extui %sign3A_792 : i1 to i32
      %sign3A_794 = arith.subi %sign3A_790, %sign3A_793 : i32
      %sign3A_795 = arith.constant 0 : i32
      %sign3A_796 = arith.cmpi sgt, %jit3A_786, %sign3A_795 : i32
      %sign3A_797 = arith.extui %sign3A_796 : i1 to i32
      %sign3A_798 = arith.constant 0 : i32
      %sign3A_799 = arith.cmpi slt, %jit3A_786, %sign3A_798 : i32
      %sign3A_800 = arith.extui %sign3A_799 : i1 to i32
      %sign3A_801 = arith.subi %sign3A_797, %sign3A_800 : i32
      %ne3A_802 = arith.cmpi ne, %sign3A_794, %sign3A_801 : i32
      %rem3A_803 = arith.remsi %add3A_769, %jit3A_786 : i32
      %ne3A_804 = arith.constant 0 : i32
      %ne3A_805 = arith.cmpi ne, %rem3A_803, %ne3A_804 : i32
      %and3A_806 = arith.andi %ne3A_802, %ne3A_805 : i1
      %sub3A_807 = arith.constant 1 : i32
      %sub3A_808 = arith.subi %div3A_787, %sub3A_807 : i32
      %select_n3A_809 = arith.select %and3A_806, %sub3A_808, %div3A_787 : i32
      %mul3A_810 = arith.constant 128 : i32
      %mul3A_811 = arith.muli %select_n3A_809, %mul3A_810 : i32
      %sub3A_812 = arith.subi %add3A_769, %mul3A_811 : i32
      %eq3A_813 = vector.broadcast %sub3A_812 : i32 to vector<1x128xi32>
      %eq3A_814 = arith.cmpi eq, %iota3A, %eq3A_813 : vector<1x128xi32>
      %broadcast_in_dim3A_815 = vector.shape_cast %eq3A_814 : vector<1x128xi1> to vector<1x128xi1>
      %broadcast_in_dim3A_816 = vector.broadcast %broadcast_in_dim3A_815 : vector<1x128xi1> to vector<8x128xi1>
      %iota3A_817 = tpu.iota {dimensions = array<i32: 0>} : vector<8x128xi32>
      %add3A_818 = arith.constant 0 : i32
      %add3A_819 = vector.broadcast %add3A_818 : i32 to vector<8x128xi32>
      %add3A_820 = arith.addi %iota3A_817, %add3A_819 : vector<8x128xi32>
      %mul3A_821 = arith.constant 8192 : i32
      %mul3A_822 = vector.broadcast %mul3A_821 : i32 to vector<8x128xi32>
      %mul3A_823 = arith.muli %add3A_820, %mul3A_822 : vector<8x128xi32>
      %jit3A_824 = arith.constant 128 : i32
      %div3A_825 = arith.divsi %squeeze3A_771, %jit3A_824 : i32
      %sign3A_826 = arith.constant 0 : i32
      %sign3A_827 = arith.cmpi sgt, %squeeze3A_771, %sign3A_826 : i32
      %sign3A_828 = arith.extui %sign3A_827 : i1 to i32
      %sign3A_829 = arith.constant 0 : i32
      %sign3A_830 = arith.cmpi slt, %squeeze3A_771, %sign3A_829 : i32
      %sign3A_831 = arith.extui %sign3A_830 : i1 to i32
      %sign3A_832 = arith.subi %sign3A_828, %sign3A_831 : i32
      %sign3A_833 = arith.constant 0 : i32
      %sign3A_834 = arith.cmpi sgt, %jit3A_824, %sign3A_833 : i32
      %sign3A_835 = arith.extui %sign3A_834 : i1 to i32
      %sign3A_836 = arith.constant 0 : i32
      %sign3A_837 = arith.cmpi slt, %jit3A_824, %sign3A_836 : i32
      %sign3A_838 = arith.extui %sign3A_837 : i1 to i32
      %sign3A_839 = arith.subi %sign3A_835, %sign3A_838 : i32
      %ne3A_840 = arith.cmpi ne, %sign3A_832, %sign3A_839 : i32
      %rem3A_841 = arith.remsi %squeeze3A_771, %jit3A_824 : i32
      %ne3A_842 = arith.constant 0 : i32
      %ne3A_843 = arith.cmpi ne, %rem3A_841, %ne3A_842 : i32
      %and3A_844 = arith.andi %ne3A_840, %ne3A_843 : i1
      %sub3A_845 = arith.constant 1 : i32
      %sub3A_846 = arith.subi %div3A_825, %sub3A_845 : i32
      %select_n3A_847 = arith.select %and3A_844, %sub3A_846, %div3A_825 : i32
      %mul3A_848 = arith.constant 128 : i32
      %mul3A_849 = arith.muli %select_n3A_847, %mul3A_848 : i32
      %sub3A_850 = arith.subi %squeeze3A_771, %mul3A_849 : i32
      %eq3A_851 = vector.broadcast %sub3A_850 : i32 to vector<1x128xi32>
      %eq3A_852 = arith.cmpi eq, %iota3A, %eq3A_851 : vector<1x128xi32>
      %get3A_853 = arith.constant 0 : index
      %get3A_854 = arith.index_cast %select_n3A_847 : i32 to index
      %get3A_855 = arith.constant 0 : index
      %get3A_856 = vector.load %arg0[%get3A_853, %get3A_854, %get3A_855] : memref<8x64x128xf32, #tpu.memory_space<vmem>>, vector<1x1x128xf32>
      %get3A_857 = vector.shape_cast %get3A_856 : vector<1x1x128xf32> to vector<1x128xf32>
      %jit3A_858 = arith.constant 0.000000e+00 : f32
      %broadcast_in_dim3A_859 = vector.broadcast %jit3A_858 : f32 to vector<1x128xf32>
      %select_n3A_860 = arith.select %eq3A_852, %get3A_857, %broadcast_in_dim3A_859 : vector<1x128xi1>, vector<1x128xf32>
      %get3A_861 = arith.constant 0 : index
      %get3A_862 = arith.index_cast %select_n3A_847 : i32 to index
      %get3A_863 = arith.constant 0 : index
      %get3A_864 = vector.load %arg1[%get3A_861, %get3A_862, %get3A_863] : memref<8x64x128xf32, #tpu.memory_space<vmem>>, vector<1x1x128xf32>
      %get3A_865 = vector.shape_cast %get3A_864 : vector<1x1x128xf32> to vector<1x128xf32>
      %jit3A_866 = arith.constant 0.000000e+00 : f32
      %broadcast_in_dim3A_867 = vector.broadcast %jit3A_866 : f32 to vector<1x128xf32>
      %select_n3A_868 = arith.select %eq3A_852, %get3A_865, %broadcast_in_dim3A_867 : vector<1x128xi1>, vector<1x128xf32>
      %get3A_869 = arith.constant 0 : index
      %get3A_870 = arith.index_cast %select_n3A_847 : i32 to index
      %get3A_871 = arith.constant 0 : index
      %get3A_872 = vector.load %arg2[%get3A_869, %get3A_870, %get3A_871] : memref<8x64x128xf32, #tpu.memory_space<vmem>>, vector<1x1x128xf32>
      %get3A_873 = vector.shape_cast %get3A_872 : vector<1x1x128xf32> to vector<1x128xf32>
      %jit3A_874 = arith.constant 0.000000e+00 : f32
      %broadcast_in_dim3A_875 = vector.broadcast %jit3A_874 : f32 to vector<1x128xf32>
      %select_n3A_876 = arith.select %eq3A_852, %get3A_873, %broadcast_in_dim3A_875 : vector<1x128xi1>, vector<1x128xf32>
      %jit3A_877 = arith.constant 128 : i32
      %div3A_878 = arith.divsi %squeeze3A_773, %jit3A_877 : i32
      %sign3A_879 = arith.constant 0 : i32
      %sign3A_880 = arith.cmpi sgt, %squeeze3A_773, %sign3A_879 : i32
      %sign3A_881 = arith.extui %sign3A_880 : i1 to i32
      %sign3A_882 = arith.constant 0 : i32
      %sign3A_883 = arith.cmpi slt, %squeeze3A_773, %sign3A_882 : i32
      %sign3A_884 = arith.extui %sign3A_883 : i1 to i32
      %sign3A_885 = arith.subi %sign3A_881, %sign3A_884 : i32
      %sign3A_886 = arith.constant 0 : i32
      %sign3A_887 = arith.cmpi sgt, %jit3A_877, %sign3A_886 : i32
      %sign3A_888 = arith.extui %sign3A_887 : i1 to i32
      %sign3A_889 = arith.constant 0 : i32
      %sign3A_890 = arith.cmpi slt, %jit3A_877, %sign3A_889 : i32
      %sign3A_891 = arith.extui %sign3A_890 : i1 to i32
      %sign3A_892 = arith.subi %sign3A_888, %sign3A_891 : i32
      %ne3A_893 = arith.cmpi ne, %sign3A_885, %sign3A_892 : i32
      %rem3A_894 = arith.remsi %squeeze3A_773, %jit3A_877 : i32
      %ne3A_895 = arith.constant 0 : i32
      %ne3A_896 = arith.cmpi ne, %rem3A_894, %ne3A_895 : i32
      %and3A_897 = arith.andi %ne3A_893, %ne3A_896 : i1
      %sub3A_898 = arith.constant 1 : i32
      %sub3A_899 = arith.subi %div3A_878, %sub3A_898 : i32
      %select_n3A_900 = arith.select %and3A_897, %sub3A_899, %div3A_878 : i32
      %mul3A_901 = arith.constant 128 : i32
      %mul3A_902 = arith.muli %select_n3A_900, %mul3A_901 : i32
      %sub3A_903 = arith.subi %squeeze3A_773, %mul3A_902 : i32
      %eq3A_904 = vector.broadcast %sub3A_903 : i32 to vector<1x128xi32>
      %eq3A_905 = arith.cmpi eq, %iota3A, %eq3A_904 : vector<1x128xi32>
      %get3A_906 = arith.constant 1 : index
      %get3A_907 = arith.index_cast %select_n3A_900 : i32 to index
      %get3A_908 = arith.constant 0 : index
      %get3A_909 = vector.load %arg0[%get3A_906, %get3A_907, %get3A_908] : memref<8x64x128xf32, #tpu.memory_space<vmem>>, vector<1x1x128xf32>
      %get3A_910 = vector.shape_cast %get3A_909 : vector<1x1x128xf32> to vector<1x128xf32>
      %jit3A_911 = arith.constant 0.000000e+00 : f32
      %broadcast_in_dim3A_912 = vector.broadcast %jit3A_911 : f32 to vector<1x128xf32>
      %select_n3A_913 = arith.select %eq3A_905, %get3A_910, %broadcast_in_dim3A_912 : vector<1x128xi1>, vector<1x128xf32>
      %get3A_914 = arith.constant 1 : index
      %get3A_915 = arith.index_cast %select_n3A_900 : i32 to index
      %get3A_916 = arith.constant 0 : index
      %get3A_917 = vector.load %arg1[%get3A_914, %get3A_915, %get3A_916] : memref<8x64x128xf32, #tpu.memory_space<vmem>>, vector<1x1x128xf32>
      %get3A_918 = vector.shape_cast %get3A_917 : vector<1x1x128xf32> to vector<1x128xf32>
      %jit3A_919 = arith.constant 0.000000e+00 : f32
      %broadcast_in_dim3A_920 = vector.broadcast %jit3A_919 : f32 to vector<1x128xf32>
      %select_n3A_921 = arith.select %eq3A_905, %get3A_918, %broadcast_in_dim3A_920 : vector<1x128xi1>, vector<1x128xf32>
      %get3A_922 = arith.constant 1 : index
      %get3A_923 = arith.index_cast %select_n3A_900 : i32 to index
      %get3A_924 = arith.constant 0 : index
      %get3A_925 = vector.load %arg2[%get3A_922, %get3A_923, %get3A_924] : memref<8x64x128xf32, #tpu.memory_space<vmem>>, vector<1x1x128xf32>
      %get3A_926 = vector.shape_cast %get3A_925 : vector<1x1x128xf32> to vector<1x128xf32>
      %jit3A_927 = arith.constant 0.000000e+00 : f32
      %broadcast_in_dim3A_928 = vector.broadcast %jit3A_927 : f32 to vector<1x128xf32>
      %select_n3A_929 = arith.select %eq3A_905, %get3A_926, %broadcast_in_dim3A_928 : vector<1x128xi1>, vector<1x128xf32>
      %jit3A_930 = arith.constant 128 : i32
      %div3A_931 = arith.divsi %squeeze3A_775, %jit3A_930 : i32
      %sign3A_932 = arith.constant 0 : i32
      %sign3A_933 = arith.cmpi sgt, %squeeze3A_775, %sign3A_932 : i32
      %sign3A_934 = arith.extui %sign3A_933 : i1 to i32
      %sign3A_935 = arith.constant 0 : i32
      %sign3A_936 = arith.cmpi slt, %squeeze3A_775, %sign3A_935 : i32
      %sign3A_937 = arith.extui %sign3A_936 : i1 to i32
      %sign3A_938 = arith.subi %sign3A_934, %sign3A_937 : i32
      %sign3A_939 = arith.constant 0 : i32
      %sign3A_940 = arith.cmpi sgt, %jit3A_930, %sign3A_939 : i32
      %sign3A_941 = arith.extui %sign3A_940 : i1 to i32
      %sign3A_942 = arith.constant 0 : i32
      %sign3A_943 = arith.cmpi slt, %jit3A_930, %sign3A_942 : i32
      %sign3A_944 = arith.extui %sign3A_943 : i1 to i32
      %sign3A_945 = arith.subi %sign3A_941, %sign3A_944 : i32
      %ne3A_946 = arith.cmpi ne, %sign3A_938, %sign3A_945 : i32
      %rem3A_947 = arith.remsi %squeeze3A_775, %jit3A_930 : i32
      %ne3A_948 = arith.constant 0 : i32
      %ne3A_949 = arith.cmpi ne, %rem3A_947, %ne3A_948 : i32
      %and3A_950 = arith.andi %ne3A_946, %ne3A_949 : i1
      %sub3A_951 = arith.constant 1 : i32
      %sub3A_952 = arith.subi %div3A_931, %sub3A_951 : i32
      %select_n3A_953 = arith.select %and3A_950, %sub3A_952, %div3A_931 : i32
      %mul3A_954 = arith.constant 128 : i32
      %mul3A_955 = arith.muli %select_n3A_953, %mul3A_954 : i32
      %sub3A_956 = arith.subi %squeeze3A_775, %mul3A_955 : i32
      %eq3A_957 = vector.broadcast %sub3A_956 : i32 to vector<1x128xi32>
      %eq3A_958 = arith.cmpi eq, %iota3A, %eq3A_957 : vector<1x128xi32>
      %get3A_959 = arith.constant 2 : index
      %get3A_960 = arith.index_cast %select_n3A_953 : i32 to index
      %get3A_961 = arith.constant 0 : index
      %get3A_962 = vector.load %arg0[%get3A_959, %get3A_960, %get3A_961] : memref<8x64x128xf32, #tpu.memory_space<vmem>>, vector<1x1x128xf32>
      %get3A_963 = vector.shape_cast %get3A_962 : vector<1x1x128xf32> to vector<1x128xf32>
      %jit3A_964 = arith.constant 0.000000e+00 : f32
      %broadcast_in_dim3A_965 = vector.broadcast %jit3A_964 : f32 to vector<1x128xf32>
      %select_n3A_966 = arith.select %eq3A_958, %get3A_963, %broadcast_in_dim3A_965 : vector<1x128xi1>, vector<1x128xf32>
      %get3A_967 = arith.constant 2 : index
      %get3A_968 = arith.index_cast %select_n3A_953 : i32 to index
      %get3A_969 = arith.constant 0 : index
      %get3A_970 = vector.load %arg1[%get3A_967, %get3A_968, %get3A_969] : memref<8x64x128xf32, #tpu.memory_space<vmem>>, vector<1x1x128xf32>
      %get3A_971 = vector.shape_cast %get3A_970 : vector<1x1x128xf32> to vector<1x128xf32>
      %jit3A_972 = arith.constant 0.000000e+00 : f32
      %broadcast_in_dim3A_973 = vector.broadcast %jit3A_972 : f32 to vector<1x128xf32>
      %select_n3A_974 = arith.select %eq3A_958, %get3A_971, %broadcast_in_dim3A_973 : vector<1x128xi1>, vector<1x128xf32>
      %get3A_975 = arith.constant 2 : index
      %get3A_976 = arith.index_cast %select_n3A_953 : i32 to index
      %get3A_977 = arith.constant 0 : index
      %get3A_978 = vector.load %arg2[%get3A_975, %get3A_976, %get3A_977] : memref<8x64x128xf32, #tpu.memory_space<vmem>>, vector<1x1x128xf32>
      %get3A_979 = vector.shape_cast %get3A_978 : vector<1x1x128xf32> to vector<1x128xf32>
      %jit3A_980 = arith.constant 0.000000e+00 : f32
      %broadcast_in_dim3A_981 = vector.broadcast %jit3A_980 : f32 to vector<1x128xf32>
      %select_n3A_982 = arith.select %eq3A_958, %get3A_979, %broadcast_in_dim3A_981 : vector<1x128xi1>, vector<1x128xf32>
      %jit3A_983 = arith.constant 128 : i32
      %div3A_984 = arith.divsi %squeeze3A_777, %jit3A_983 : i32
      %sign3A_985 = arith.constant 0 : i32
      %sign3A_986 = arith.cmpi sgt, %squeeze3A_777, %sign3A_985 : i32
      %sign3A_987 = arith.extui %sign3A_986 : i1 to i32
      %sign3A_988 = arith.constant 0 : i32
      %sign3A_989 = arith.cmpi slt, %squeeze3A_777, %sign3A_988 : i32
      %sign3A_990 = arith.extui %sign3A_989 : i1 to i32
      %sign3A_991 = arith.subi %sign3A_987, %sign3A_990 : i32
      %sign3A_992 = arith.constant 0 : i32
      %sign3A_993 = arith.cmpi sgt, %jit3A_983, %sign3A_992 : i32
      %sign3A_994 = arith.extui %sign3A_993 : i1 to i32
      %sign3A_995 = arith.constant 0 : i32
      %sign3A_996 = arith.cmpi slt, %jit3A_983, %sign3A_995 : i32
      %sign3A_997 = arith.extui %sign3A_996 : i1 to i32
      %sign3A_998 = arith.subi %sign3A_994, %sign3A_997 : i32
      %ne3A_999 = arith.cmpi ne, %sign3A_991, %sign3A_998 : i32
      %rem3A_1000 = arith.remsi %squeeze3A_777, %jit3A_983 : i32
      %ne3A_1001 = arith.constant 0 : i32
      %ne3A_1002 = arith.cmpi ne, %rem3A_1000, %ne3A_1001 : i32
      %and3A_1003 = arith.andi %ne3A_999, %ne3A_1002 : i1
      %sub3A_1004 = arith.constant 1 : i32
      %sub3A_1005 = arith.subi %div3A_984, %sub3A_1004 : i32
      %select_n3A_1006 = arith.select %and3A_1003, %sub3A_1005, %div3A_984 : i32
      %mul3A_1007 = arith.constant 128 : i32
      %mul3A_1008 = arith.muli %select_n3A_1006, %mul3A_1007 : i32
      %sub3A_1009 = arith.subi %squeeze3A_777, %mul3A_1008 : i32
      %eq3A_1010 = vector.broadcast %sub3A_1009 : i32 to vector<1x128xi32>
      %eq3A_1011 = arith.cmpi eq, %iota3A, %eq3A_1010 : vector<1x128xi32>
      %get3A_1012 = arith.constant 3 : index
      %get3A_1013 = arith.index_cast %select_n3A_1006 : i32 to index
      %get3A_1014 = arith.constant 0 : index
      %get3A_1015 = vector.load %arg0[%get3A_1012, %get3A_1013, %get3A_1014] : memref<8x64x128xf32, #tpu.memory_space<vmem>>, vector<1x1x128xf32>
      %get3A_1016 = vector.shape_cast %get3A_1015 : vector<1x1x128xf32> to vector<1x128xf32>
      %jit3A_1017 = arith.constant 0.000000e+00 : f32
      %broadcast_in_dim3A_1018 = vector.broadcast %jit3A_1017 : f32 to vector<1x128xf32>
      %select_n3A_1019 = arith.select %eq3A_1011, %get3A_1016, %broadcast_in_dim3A_1018 : vector<1x128xi1>, vector<1x128xf32>
      %get3A_1020 = arith.constant 3 : index
      %get3A_1021 = arith.index_cast %select_n3A_1006 : i32 to index
      %get3A_1022 = arith.constant 0 : index
      %get3A_1023 = vector.load %arg1[%get3A_1020, %get3A_1021, %get3A_1022] : memref<8x64x128xf32, #tpu.memory_space<vmem>>, vector<1x1x128xf32>
      %get3A_1024 = vector.shape_cast %get3A_1023 : vector<1x1x128xf32> to vector<1x128xf32>
      %jit3A_1025 = arith.constant 0.000000e+00 : f32
      %broadcast_in_dim3A_1026 = vector.broadcast %jit3A_1025 : f32 to vector<1x128xf32>
      %select_n3A_1027 = arith.select %eq3A_1011, %get3A_1024, %broadcast_in_dim3A_1026 : vector<1x128xi1>, vector<1x128xf32>
      %get3A_1028 = arith.constant 3 : index
      %get3A_1029 = arith.index_cast %select_n3A_1006 : i32 to index
      %get3A_1030 = arith.constant 0 : index
      %get3A_1031 = vector.load %arg2[%get3A_1028, %get3A_1029, %get3A_1030] : memref<8x64x128xf32, #tpu.memory_space<vmem>>, vector<1x1x128xf32>
      %get3A_1032 = vector.shape_cast %get3A_1031 : vector<1x1x128xf32> to vector<1x128xf32>
      %jit3A_1033 = arith.constant 0.000000e+00 : f32
      %broadcast_in_dim3A_1034 = vector.broadcast %jit3A_1033 : f32 to vector<1x128xf32>
      %select_n3A_1035 = arith.select %eq3A_1011, %get3A_1032, %broadcast_in_dim3A_1034 : vector<1x128xi1>, vector<1x128xf32>
      %jit3A_1036 = arith.constant 128 : i32
      %div3A_1037 = arith.divsi %squeeze3A_779, %jit3A_1036 : i32
      %sign3A_1038 = arith.constant 0 : i32
      %sign3A_1039 = arith.cmpi sgt, %squeeze3A_779, %sign3A_1038 : i32
      %sign3A_1040 = arith.extui %sign3A_1039 : i1 to i32
      %sign3A_1041 = arith.constant 0 : i32
      %sign3A_1042 = arith.cmpi slt, %squeeze3A_779, %sign3A_1041 : i32
      %sign3A_1043 = arith.extui %sign3A_1042 : i1 to i32
      %sign3A_1044 = arith.subi %sign3A_1040, %sign3A_1043 : i32
      %sign3A_1045 = arith.constant 0 : i32
      %sign3A_1046 = arith.cmpi sgt, %jit3A_1036, %sign3A_1045 : i32
      %sign3A_1047 = arith.extui %sign3A_1046 : i1 to i32
      %sign3A_1048 = arith.constant 0 : i32
      %sign3A_1049 = arith.cmpi slt, %jit3A_1036, %sign3A_1048 : i32
      %sign3A_1050 = arith.extui %sign3A_1049 : i1 to i32
      %sign3A_1051 = arith.subi %sign3A_1047, %sign3A_1050 : i32
      %ne3A_1052 = arith.cmpi ne, %sign3A_1044, %sign3A_1051 : i32
      %rem3A_1053 = arith.remsi %squeeze3A_779, %jit3A_1036 : i32
      %ne3A_1054 = arith.constant 0 : i32
      %ne3A_1055 = arith.cmpi ne, %rem3A_1053, %ne3A_1054 : i32
      %and3A_1056 = arith.andi %ne3A_1052, %ne3A_1055 : i1
      %sub3A_1057 = arith.constant 1 : i32
      %sub3A_1058 = arith.subi %div3A_1037, %sub3A_1057 : i32
      %select_n3A_1059 = arith.select %and3A_1056, %sub3A_1058, %div3A_1037 : i32
      %mul3A_1060 = arith.constant 128 : i32
      %mul3A_1061 = arith.muli %select_n3A_1059, %mul3A_1060 : i32
      %sub3A_1062 = arith.subi %squeeze3A_779, %mul3A_1061 : i32
      %eq3A_1063 = vector.broadcast %sub3A_1062 : i32 to vector<1x128xi32>
      %eq3A_1064 = arith.cmpi eq, %iota3A, %eq3A_1063 : vector<1x128xi32>
      %get3A_1065 = arith.constant 4 : index
      %get3A_1066 = arith.index_cast %select_n3A_1059 : i32 to index
      %get3A_1067 = arith.constant 0 : index
      %get3A_1068 = vector.load %arg0[%get3A_1065, %get3A_1066, %get3A_1067] : memref<8x64x128xf32, #tpu.memory_space<vmem>>, vector<1x1x128xf32>
      %get3A_1069 = vector.shape_cast %get3A_1068 : vector<1x1x128xf32> to vector<1x128xf32>
      %jit3A_1070 = arith.constant 0.000000e+00 : f32
      %broadcast_in_dim3A_1071 = vector.broadcast %jit3A_1070 : f32 to vector<1x128xf32>
      %select_n3A_1072 = arith.select %eq3A_1064, %get3A_1069, %broadcast_in_dim3A_1071 : vector<1x128xi1>, vector<1x128xf32>
      %get3A_1073 = arith.constant 4 : index
      %get3A_1074 = arith.index_cast %select_n3A_1059 : i32 to index
      %get3A_1075 = arith.constant 0 : index
      %get3A_1076 = vector.load %arg1[%get3A_1073, %get3A_1074, %get3A_1075] : memref<8x64x128xf32, #tpu.memory_space<vmem>>, vector<1x1x128xf32>
      %get3A_1077 = vector.shape_cast %get3A_1076 : vector<1x1x128xf32> to vector<1x128xf32>
      %jit3A_1078 = arith.constant 0.000000e+00 : f32
      %broadcast_in_dim3A_1079 = vector.broadcast %jit3A_1078 : f32 to vector<1x128xf32>
      %select_n3A_1080 = arith.select %eq3A_1064, %get3A_1077, %broadcast_in_dim3A_1079 : vector<1x128xi1>, vector<1x128xf32>
      %get3A_1081 = arith.constant 4 : index
      %get3A_1082 = arith.index_cast %select_n3A_1059 : i32 to index
      %get3A_1083 = arith.constant 0 : index
      %get3A_1084 = vector.load %arg2[%get3A_1081, %get3A_1082, %get3A_1083] : memref<8x64x128xf32, #tpu.memory_space<vmem>>, vector<1x1x128xf32>
      %get3A_1085 = vector.shape_cast %get3A_1084 : vector<1x1x128xf32> to vector<1x128xf32>
      %jit3A_1086 = arith.constant 0.000000e+00 : f32
      %broadcast_in_dim3A_1087 = vector.broadcast %jit3A_1086 : f32 to vector<1x128xf32>
      %select_n3A_1088 = arith.select %eq3A_1064, %get3A_1085, %broadcast_in_dim3A_1087 : vector<1x128xi1>, vector<1x128xf32>
      %jit3A_1089 = arith.constant 128 : i32
      %div3A_1090 = arith.divsi %squeeze3A_781, %jit3A_1089 : i32
      %sign3A_1091 = arith.constant 0 : i32
      %sign3A_1092 = arith.cmpi sgt, %squeeze3A_781, %sign3A_1091 : i32
      %sign3A_1093 = arith.extui %sign3A_1092 : i1 to i32
      %sign3A_1094 = arith.constant 0 : i32
      %sign3A_1095 = arith.cmpi slt, %squeeze3A_781, %sign3A_1094 : i32
      %sign3A_1096 = arith.extui %sign3A_1095 : i1 to i32
      %sign3A_1097 = arith.subi %sign3A_1093, %sign3A_1096 : i32
      %sign3A_1098 = arith.constant 0 : i32
      %sign3A_1099 = arith.cmpi sgt, %jit3A_1089, %sign3A_1098 : i32
      %sign3A_1100 = arith.extui %sign3A_1099 : i1 to i32
      %sign3A_1101 = arith.constant 0 : i32
      %sign3A_1102 = arith.cmpi slt, %jit3A_1089, %sign3A_1101 : i32
      %sign3A_1103 = arith.extui %sign3A_1102 : i1 to i32
      %sign3A_1104 = arith.subi %sign3A_1100, %sign3A_1103 : i32
      %ne3A_1105 = arith.cmpi ne, %sign3A_1097, %sign3A_1104 : i32
      %rem3A_1106 = arith.remsi %squeeze3A_781, %jit3A_1089 : i32
      %ne3A_1107 = arith.constant 0 : i32
      %ne3A_1108 = arith.cmpi ne, %rem3A_1106, %ne3A_1107 : i32
      %and3A_1109 = arith.andi %ne3A_1105, %ne3A_1108 : i1
      %sub3A_1110 = arith.constant 1 : i32
      %sub3A_1111 = arith.subi %div3A_1090, %sub3A_1110 : i32
      %select_n3A_1112 = arith.select %and3A_1109, %sub3A_1111, %div3A_1090 : i32
      %mul3A_1113 = arith.constant 128 : i32
      %mul3A_1114 = arith.muli %select_n3A_1112, %mul3A_1113 : i32
      %sub3A_1115 = arith.subi %squeeze3A_781, %mul3A_1114 : i32
      %eq3A_1116 = vector.broadcast %sub3A_1115 : i32 to vector<1x128xi32>
      %eq3A_1117 = arith.cmpi eq, %iota3A, %eq3A_1116 : vector<1x128xi32>
      %get3A_1118 = arith.constant 5 : index
      %get3A_1119 = arith.index_cast %select_n3A_1112 : i32 to index
      %get3A_1120 = arith.constant 0 : index
      %get3A_1121 = vector.load %arg0[%get3A_1118, %get3A_1119, %get3A_1120] : memref<8x64x128xf32, #tpu.memory_space<vmem>>, vector<1x1x128xf32>
      %get3A_1122 = vector.shape_cast %get3A_1121 : vector<1x1x128xf32> to vector<1x128xf32>
      %jit3A_1123 = arith.constant 0.000000e+00 : f32
      %broadcast_in_dim3A_1124 = vector.broadcast %jit3A_1123 : f32 to vector<1x128xf32>
      %select_n3A_1125 = arith.select %eq3A_1117, %get3A_1122, %broadcast_in_dim3A_1124 : vector<1x128xi1>, vector<1x128xf32>
      %get3A_1126 = arith.constant 5 : index
      %get3A_1127 = arith.index_cast %select_n3A_1112 : i32 to index
      %get3A_1128 = arith.constant 0 : index
      %get3A_1129 = vector.load %arg1[%get3A_1126, %get3A_1127, %get3A_1128] : memref<8x64x128xf32, #tpu.memory_space<vmem>>, vector<1x1x128xf32>
      %get3A_1130 = vector.shape_cast %get3A_1129 : vector<1x1x128xf32> to vector<1x128xf32>
      %jit3A_1131 = arith.constant 0.000000e+00 : f32
      %broadcast_in_dim3A_1132 = vector.broadcast %jit3A_1131 : f32 to vector<1x128xf32>
      %select_n3A_1133 = arith.select %eq3A_1117, %get3A_1130, %broadcast_in_dim3A_1132 : vector<1x128xi1>, vector<1x128xf32>
      %get3A_1134 = arith.constant 5 : index
      %get3A_1135 = arith.index_cast %select_n3A_1112 : i32 to index
      %get3A_1136 = arith.constant 0 : index
      %get3A_1137 = vector.load %arg2[%get3A_1134, %get3A_1135, %get3A_1136] : memref<8x64x128xf32, #tpu.memory_space<vmem>>, vector<1x1x128xf32>
      %get3A_1138 = vector.shape_cast %get3A_1137 : vector<1x1x128xf32> to vector<1x128xf32>
      %jit3A_1139 = arith.constant 0.000000e+00 : f32
      %broadcast_in_dim3A_1140 = vector.broadcast %jit3A_1139 : f32 to vector<1x128xf32>
      %select_n3A_1141 = arith.select %eq3A_1117, %get3A_1138, %broadcast_in_dim3A_1140 : vector<1x128xi1>, vector<1x128xf32>
      %jit3A_1142 = arith.constant 128 : i32
      %div3A_1143 = arith.divsi %squeeze3A_783, %jit3A_1142 : i32
      %sign3A_1144 = arith.constant 0 : i32
      %sign3A_1145 = arith.cmpi sgt, %squeeze3A_783, %sign3A_1144 : i32
      %sign3A_1146 = arith.extui %sign3A_1145 : i1 to i32
      %sign3A_1147 = arith.constant 0 : i32
      %sign3A_1148 = arith.cmpi slt, %squeeze3A_783, %sign3A_1147 : i32
      %sign3A_1149 = arith.extui %sign3A_1148 : i1 to i32
      %sign3A_1150 = arith.subi %sign3A_1146, %sign3A_1149 : i32
      %sign3A_1151 = arith.constant 0 : i32
      %sign3A_1152 = arith.cmpi sgt, %jit3A_1142, %sign3A_1151 : i32
      %sign3A_1153 = arith.extui %sign3A_1152 : i1 to i32
      %sign3A_1154 = arith.constant 0 : i32
      %sign3A_1155 = arith.cmpi slt, %jit3A_1142, %sign3A_1154 : i32
      %sign3A_1156 = arith.extui %sign3A_1155 : i1 to i32
      %sign3A_1157 = arith.subi %sign3A_1153, %sign3A_1156 : i32
      %ne3A_1158 = arith.cmpi ne, %sign3A_1150, %sign3A_1157 : i32
      %rem3A_1159 = arith.remsi %squeeze3A_783, %jit3A_1142 : i32
      %ne3A_1160 = arith.constant 0 : i32
      %ne3A_1161 = arith.cmpi ne, %rem3A_1159, %ne3A_1160 : i32
      %and3A_1162 = arith.andi %ne3A_1158, %ne3A_1161 : i1
      %sub3A_1163 = arith.constant 1 : i32
      %sub3A_1164 = arith.subi %div3A_1143, %sub3A_1163 : i32
      %select_n3A_1165 = arith.select %and3A_1162, %sub3A_1164, %div3A_1143 : i32
      %mul3A_1166 = arith.constant 128 : i32
      %mul3A_1167 = arith.muli %select_n3A_1165, %mul3A_1166 : i32
      %sub3A_1168 = arith.subi %squeeze3A_783, %mul3A_1167 : i32
      %eq3A_1169 = vector.broadcast %sub3A_1168 : i32 to vector<1x128xi32>
      %eq3A_1170 = arith.cmpi eq, %iota3A, %eq3A_1169 : vector<1x128xi32>
      %get3A_1171 = arith.constant 6 : index
      %get3A_1172 = arith.index_cast %select_n3A_1165 : i32 to index
      %get3A_1173 = arith.constant 0 : index
      %get3A_1174 = vector.load %arg0[%get3A_1171, %get3A_1172, %get3A_1173] : memref<8x64x128xf32, #tpu.memory_space<vmem>>, vector<1x1x128xf32>
      %get3A_1175 = vector.shape_cast %get3A_1174 : vector<1x1x128xf32> to vector<1x128xf32>
      %jit3A_1176 = arith.constant 0.000000e+00 : f32
      %broadcast_in_dim3A_1177 = vector.broadcast %jit3A_1176 : f32 to vector<1x128xf32>
      %select_n3A_1178 = arith.select %eq3A_1170, %get3A_1175, %broadcast_in_dim3A_1177 : vector<1x128xi1>, vector<1x128xf32>
      %get3A_1179 = arith.constant 6 : index
      %get3A_1180 = arith.index_cast %select_n3A_1165 : i32 to index
      %get3A_1181 = arith.constant 0 : index
      %get3A_1182 = vector.load %arg1[%get3A_1179, %get3A_1180, %get3A_1181] : memref<8x64x128xf32, #tpu.memory_space<vmem>>, vector<1x1x128xf32>
      %get3A_1183 = vector.shape_cast %get3A_1182 : vector<1x1x128xf32> to vector<1x128xf32>
      %jit3A_1184 = arith.constant 0.000000e+00 : f32
      %broadcast_in_dim3A_1185 = vector.broadcast %jit3A_1184 : f32 to vector<1x128xf32>
      %select_n3A_1186 = arith.select %eq3A_1170, %get3A_1183, %broadcast_in_dim3A_1185 : vector<1x128xi1>, vector<1x128xf32>
      %get3A_1187 = arith.constant 6 : index
      %get3A_1188 = arith.index_cast %select_n3A_1165 : i32 to index
      %get3A_1189 = arith.constant 0 : index
      %get3A_1190 = vector.load %arg2[%get3A_1187, %get3A_1188, %get3A_1189] : memref<8x64x128xf32, #tpu.memory_space<vmem>>, vector<1x1x128xf32>
      %get3A_1191 = vector.shape_cast %get3A_1190 : vector<1x1x128xf32> to vector<1x128xf32>
      %jit3A_1192 = arith.constant 0.000000e+00 : f32
      %broadcast_in_dim3A_1193 = vector.broadcast %jit3A_1192 : f32 to vector<1x128xf32>
      %select_n3A_1194 = arith.select %eq3A_1170, %get3A_1191, %broadcast_in_dim3A_1193 : vector<1x128xi1>, vector<1x128xf32>
      %jit3A_1195 = arith.constant 128 : i32
      %div3A_1196 = arith.divsi %squeeze3A_785, %jit3A_1195 : i32
      %sign3A_1197 = arith.constant 0 : i32
      %sign3A_1198 = arith.cmpi sgt, %squeeze3A_785, %sign3A_1197 : i32
      %sign3A_1199 = arith.extui %sign3A_1198 : i1 to i32
      %sign3A_1200 = arith.constant 0 : i32
      %sign3A_1201 = arith.cmpi slt, %squeeze3A_785, %sign3A_1200 : i32
      %sign3A_1202 = arith.extui %sign3A_1201 : i1 to i32
      %sign3A_1203 = arith.subi %sign3A_1199, %sign3A_1202 : i32
      %sign3A_1204 = arith.constant 0 : i32
      %sign3A_1205 = arith.cmpi sgt, %jit3A_1195, %sign3A_1204 : i32
      %sign3A_1206 = arith.extui %sign3A_1205 : i1 to i32
      %sign3A_1207 = arith.constant 0 : i32
      %sign3A_1208 = arith.cmpi slt, %jit3A_1195, %sign3A_1207 : i32
      %sign3A_1209 = arith.extui %sign3A_1208 : i1 to i32
      %sign3A_1210 = arith.subi %sign3A_1206, %sign3A_1209 : i32
      %ne3A_1211 = arith.cmpi ne, %sign3A_1203, %sign3A_1210 : i32
      %rem3A_1212 = arith.remsi %squeeze3A_785, %jit3A_1195 : i32
      %ne3A_1213 = arith.constant 0 : i32
      %ne3A_1214 = arith.cmpi ne, %rem3A_1212, %ne3A_1213 : i32
      %and3A_1215 = arith.andi %ne3A_1211, %ne3A_1214 : i1
      %sub3A_1216 = arith.constant 1 : i32
      %sub3A_1217 = arith.subi %div3A_1196, %sub3A_1216 : i32
      %select_n3A_1218 = arith.select %and3A_1215, %sub3A_1217, %div3A_1196 : i32
      %mul3A_1219 = arith.constant 128 : i32
      %mul3A_1220 = arith.muli %select_n3A_1218, %mul3A_1219 : i32
      %sub3A_1221 = arith.subi %squeeze3A_785, %mul3A_1220 : i32
      %eq3A_1222 = vector.broadcast %sub3A_1221 : i32 to vector<1x128xi32>
      %eq3A_1223 = arith.cmpi eq, %iota3A, %eq3A_1222 : vector<1x128xi32>
      %get3A_1224 = arith.constant 7 : index
      %get3A_1225 = arith.index_cast %select_n3A_1218 : i32 to index
      %get3A_1226 = arith.constant 0 : index
      %get3A_1227 = vector.load %arg0[%get3A_1224, %get3A_1225, %get3A_1226] : memref<8x64x128xf32, #tpu.memory_space<vmem>>, vector<1x1x128xf32>
      %get3A_1228 = vector.shape_cast %get3A_1227 : vector<1x1x128xf32> to vector<1x128xf32>
      %jit3A_1229 = arith.constant 0.000000e+00 : f32
      %broadcast_in_dim3A_1230 = vector.broadcast %jit3A_1229 : f32 to vector<1x128xf32>
      %select_n3A_1231 = arith.select %eq3A_1223, %get3A_1228, %broadcast_in_dim3A_1230 : vector<1x128xi1>, vector<1x128xf32>
      %get3A_1232 = arith.constant 7 : index
      %get3A_1233 = arith.index_cast %select_n3A_1218 : i32 to index
      %get3A_1234 = arith.constant 0 : index
      %get3A_1235 = vector.load %arg1[%get3A_1232, %get3A_1233, %get3A_1234] : memref<8x64x128xf32, #tpu.memory_space<vmem>>, vector<1x1x128xf32>
      %get3A_1236 = vector.shape_cast %get3A_1235 : vector<1x1x128xf32> to vector<1x128xf32>
      %jit3A_1237 = arith.constant 0.000000e+00 : f32
      %broadcast_in_dim3A_1238 = vector.broadcast %jit3A_1237 : f32 to vector<1x128xf32>
      %select_n3A_1239 = arith.select %eq3A_1223, %get3A_1236, %broadcast_in_dim3A_1238 : vector<1x128xi1>, vector<1x128xf32>
      %get3A_1240 = arith.constant 7 : index
      %get3A_1241 = arith.index_cast %select_n3A_1218 : i32 to index
      %get3A_1242 = arith.constant 0 : index
      %get3A_1243 = vector.load %arg2[%get3A_1240, %get3A_1241, %get3A_1242] : memref<8x64x128xf32, #tpu.memory_space<vmem>>, vector<1x1x128xf32>
      %get3A_1244 = vector.shape_cast %get3A_1243 : vector<1x1x128xf32> to vector<1x128xf32>
      %jit3A_1245 = arith.constant 0.000000e+00 : f32
      %broadcast_in_dim3A_1246 = vector.broadcast %jit3A_1245 : f32 to vector<1x128xf32>
      %select_n3A_1247 = arith.select %eq3A_1223, %get3A_1244, %broadcast_in_dim3A_1246 : vector<1x128xi1>, vector<1x128xf32>
      %concatenate3A_1248 = tpu.concatenate %select_n3A_860, %select_n3A_913, %select_n3A_966, %select_n3A_1019, %select_n3A_1072, %select_n3A_1125, %select_n3A_1178, %select_n3A_1231 in 0 : vector<1x128xf32>, vector<1x128xf32>, vector<1x128xf32>, vector<1x128xf32>, vector<1x128xf32>, vector<1x128xf32>, vector<1x128xf32>, vector<1x128xf32> -> vector<8x128xf32>
      %dot_general3A_1249 = arith.constant dense<0.000000e+00> : vector<8x128xf32>
      %dot_general3A_1250 = tpu.matmul %concatenate3A_1248, %broadcast_in_dim3A_1, %dot_general3A_1249 {dimension_numbers = #tpu.dot_dimension_numbers<[1], [0], [0], [1], [0, 0, 1, 1], [], []>, precision = #tpu.contract_precision<fp32>, transpose_lhs_hint = false} : vector<8x128xf32>, vector<128x128xf32>, vector<8x128xf32> -> vector<8x128xf32>
      %concatenate3A_1251 = tpu.concatenate %select_n3A_868, %select_n3A_921, %select_n3A_974, %select_n3A_1027, %select_n3A_1080, %select_n3A_1133, %select_n3A_1186, %select_n3A_1239 in 0 : vector<1x128xf32>, vector<1x128xf32>, vector<1x128xf32>, vector<1x128xf32>, vector<1x128xf32>, vector<1x128xf32>, vector<1x128xf32>, vector<1x128xf32> -> vector<8x128xf32>
      %dot_general3A_1252 = arith.constant dense<0.000000e+00> : vector<8x128xf32>
      %dot_general3A_1253 = tpu.matmul %concatenate3A_1251, %broadcast_in_dim3A_1, %dot_general3A_1252 {dimension_numbers = #tpu.dot_dimension_numbers<[1], [0], [0], [1], [0, 0, 1, 1], [], []>, precision = #tpu.contract_precision<fp32>, transpose_lhs_hint = false} : vector<8x128xf32>, vector<128x128xf32>, vector<8x128xf32> -> vector<8x128xf32>
      %concatenate3A_1254 = tpu.concatenate %select_n3A_876, %select_n3A_929, %select_n3A_982, %select_n3A_1035, %select_n3A_1088, %select_n3A_1141, %select_n3A_1194, %select_n3A_1247 in 0 : vector<1x128xf32>, vector<1x128xf32>, vector<1x128xf32>, vector<1x128xf32>, vector<1x128xf32>, vector<1x128xf32>, vector<1x128xf32>, vector<1x128xf32> -> vector<8x128xf32>
      %dot_general3A_1255 = arith.constant dense<0.000000e+00> : vector<8x128xf32>
      %dot_general3A_1256 = tpu.matmul %concatenate3A_1254, %broadcast_in_dim3A_1, %dot_general3A_1255 {dimension_numbers = #tpu.dot_dimension_numbers<[1], [0], [0], [1], [0, 0, 1, 1], [], []>, precision = #tpu.contract_precision<fp32>, transpose_lhs_hint = false} : vector<8x128xf32>, vector<128x128xf32>, vector<8x128xf32> -> vector<8x128xf32>
      %broadcast_in_dim3A_1257 = vector.shape_cast %scan3A_763 : vector<8x1xi32> to vector<8x1xi32>
      %broadcast_in_dim3A_1258 = vector.broadcast %broadcast_in_dim3A_1257 : vector<8x1xi32> to vector<8x128xi32>
      %add3A_1259 = arith.addi %broadcast_in_dim3A_1258, %mul3A_823 : vector<8x128xi32>
      %select_n3A_1260 = arith.select %broadcast_in_dim3A_816, %add3A_1259, %scan3A_764 : vector<8x128xi1>, vector<8x128xi32>
      %select_n3A_1261 = arith.select %broadcast_in_dim3A_816, %dot_general3A_1250, %scan3A_765 : vector<8x128xi1>, vector<8x128xf32>
      %select_n3A_1262 = arith.select %broadcast_in_dim3A_816, %dot_general3A_1253, %scan3A_766 : vector<8x128xi1>, vector<8x128xf32>
      %select_n3A_1263 = arith.select %broadcast_in_dim3A_816, %dot_general3A_1256, %scan3A_767 : vector<8x128xi1>, vector<8x128xf32>
      %get3A_1264 = arith.constant 0 : index
      %get3A_1265 = arith.constant 0 : index
      %get3A_1266 = arith.constant 0 : index
      %get3A_1267 = vector.load %arg0[%get3A_1264, %get3A_1265, %get3A_1266] : memref<8x64x128xf32, #tpu.memory_space<vmem>>, vector<8x64x128xf32>
      %broadcast_in_dim3A_1268 = vector.shape_cast %dot_general3A_1250 : vector<8x128xf32> to vector<8x1x128xf32>
      %broadcast_in_dim3A_1269 = vector.shape_cast %broadcast_in_dim3A_1268 : vector<8x1x128xf32> to vector<8x1x128xf32>
      %broadcast_in_dim3A_1270 = vector.broadcast %broadcast_in_dim3A_1269 : vector<8x1x128xf32> to vector<8x64x128xf32>
      %sub3A_1271 = arith.subf %get3A_1267, %broadcast_in_dim3A_1270 : vector<8x64x128xf32>
      %get3A_1272 = arith.constant 0 : index
      %get3A_1273 = arith.constant 0 : index
      %get3A_1274 = arith.constant 0 : index
      %get3A_1275 = vector.load %arg1[%get3A_1272, %get3A_1273, %get3A_1274] : memref<8x64x128xf32, #tpu.memory_space<vmem>>, vector<8x64x128xf32>
      %broadcast_in_dim3A_1276 = vector.shape_cast %dot_general3A_1253 : vector<8x128xf32> to vector<8x1x128xf32>
      %broadcast_in_dim3A_1277 = vector.shape_cast %broadcast_in_dim3A_1276 : vector<8x1x128xf32> to vector<8x1x128xf32>
      %broadcast_in_dim3A_1278 = vector.broadcast %broadcast_in_dim3A_1277 : vector<8x1x128xf32> to vector<8x64x128xf32>
      %sub3A_1279 = arith.subf %get3A_1275, %broadcast_in_dim3A_1278 : vector<8x64x128xf32>
      %get3A_1280 = arith.constant 0 : index
      %get3A_1281 = arith.constant 0 : index
      %get3A_1282 = arith.constant 0 : index
      %get3A_1283 = vector.load %arg2[%get3A_1280, %get3A_1281, %get3A_1282] : memref<8x64x128xf32, #tpu.memory_space<vmem>>, vector<8x64x128xf32>
      %broadcast_in_dim3A_1284 = vector.shape_cast %dot_general3A_1256 : vector<8x128xf32> to vector<8x1x128xf32>
      %broadcast_in_dim3A_1285 = vector.shape_cast %broadcast_in_dim3A_1284 : vector<8x1x128xf32> to vector<8x1x128xf32>
      %broadcast_in_dim3A_1286 = vector.broadcast %broadcast_in_dim3A_1285 : vector<8x1x128xf32> to vector<8x64x128xf32>
      %sub3A_1287 = arith.subf %get3A_1283, %broadcast_in_dim3A_1286 : vector<8x64x128xf32>
      %mul3A_1288 = arith.mulf %sub3A_1271, %sub3A_1271 : vector<8x64x128xf32>
      %mul3A_1289 = arith.mulf %sub3A_1279, %sub3A_1279 : vector<8x64x128xf32>
      %add3A_1290 = arith.addf %mul3A_1288, %mul3A_1289 : vector<8x64x128xf32>
      %mul3A_1291 = arith.mulf %sub3A_1287, %sub3A_1287 : vector<8x64x128xf32>
      %add3A_1292 = arith.addf %add3A_1290, %mul3A_1291 : vector<8x64x128xf32>
      %get3A_1293 = arith.constant 0 : index
      %get3A_1294 = arith.constant 0 : index
      %get3A_1295 = arith.constant 0 : index
      %get3A_1296 = vector.load %arg7[%get3A_1293, %get3A_1294, %get3A_1295] : memref<8x64x128xf32, #tpu.memory_space<vmem>>, vector<8x64x128xf32>
      %min3A_1297 = arith.minimumf %get3A_1296, %add3A_1292 : vector<8x64x128xf32>
      %swap3A_1298 = arith.constant 0 : index
      %swap3A_1299 = arith.constant 0 : index
      %swap3A_1300 = arith.constant 0 : index
      %swap3A_1301 = vector.load %arg7[%swap3A_1298, %swap3A_1299, %swap3A_1300] : memref<8x64x128xf32, #tpu.memory_space<vmem>>, vector<8x64x128xf32>
      tpu.vector_store %arg7[%swap3A_1298, %swap3A_1299, %swap3A_1300], %min3A_1297 {strides = array<i32>} : memref<8x64x128xf32, #tpu.memory_space<vmem>>, vector<8x64x128xf32>,
      %reduce_max3A_1302 = arith.constant dense<0xFF800000> : vector<8x128xf32>
      %reduce_max3A_1303 = vector.multi_reduction <maximumf>, %min3A_1297, %reduce_max3A_1302 [1] : vector<8x64x128xf32> to vector<8x128xf32>
      %broadcast_in_dim3A_1304 = vector.shape_cast %reduce_max3A_1303 : vector<8x128xf32> to vector<8x1x128xf32>
      %broadcast_in_dim3A_1305 = vector.shape_cast %broadcast_in_dim3A_1304 : vector<8x1x128xf32> to vector<8x1x128xf32>
      %broadcast_in_dim3A_1306 = vector.broadcast %broadcast_in_dim3A_1305 : vector<8x1x128xf32> to vector<8x64x128xf32>
      %eq3A_1307 = arith.cmpf oeq, %min3A_1297, %broadcast_in_dim3A_1306 : vector<8x64x128xf32>
      %jit3A_1308 = arith.constant 1073741824 : i32
      %broadcast_in_dim3A_1309 = vector.broadcast %jit3A_1308 : i32 to vector<8x64x128xi32>
      %select_n3A_1310 = arith.select %eq3A_1307, %iota3A_0, %broadcast_in_dim3A_1309 : vector<8x64x128xi1>, vector<8x64x128xi32>
      %reduce_min3A_1311 = arith.constant dense<2147483647> : vector<8x128xi32>
      %reduce_min3A_1312 = vector.multi_reduction <minsi>, %select_n3A_1310, %reduce_min3A_1311 [1] : vector<8x64x128xi32> to vector<8x128xi32>
      %slice3A_1313 = vector.extract_strided_slice %select_n3A_1260 {offsets = [0, 0], sizes = [1, 128], strides = [1, 1]} : vector<8x128xi32> to vector<1x128xi32>
      %swap3A_1314 = arith.constant 0 : index
      %swap3A_1315 = arith.index_cast %select_n3A_809 : i32 to index
      %swap3A_1316 = arith.constant 0 : index
      %swap3A_1317 = vector.load %arg3[%swap3A_1314, %swap3A_1315, %swap3A_1316] : memref<8x8x128xi32, #tpu.memory_space<vmem>>, vector<1x1x128xi32>
      %swap3A_1318 = vector.shape_cast %swap3A_1317 : vector<1x1x128xi32> to vector<1x128xi32>
      %swap3A_1319 = vector.shape_cast %slice3A_1313 : vector<1x128xi32> to vector<1x1x128xi32>
      tpu.vector_store %arg3[%swap3A_1314, %swap3A_1315, %swap3A_1316], %swap3A_1319 {strides = array<i32>} : memref<8x8x128xi32, #tpu.memory_space<vmem>>, vector<1x1x128xi32>,
      %slice3A_1320 = vector.extract_strided_slice %select_n3A_1261 {offsets = [0, 0], sizes = [1, 128], strides = [1, 1]} : vector<8x128xf32> to vector<1x128xf32>
      %swap3A_1321 = arith.constant 0 : index
      %swap3A_1322 = arith.index_cast %select_n3A_809 : i32 to index
      %swap3A_1323 = arith.constant 0 : index
      %swap3A_1324 = vector.load %arg4[%swap3A_1321, %swap3A_1322, %swap3A_1323] : memref<8x8x128xf32, #tpu.memory_space<vmem>>, vector<1x1x128xf32>
      %swap3A_1325 = vector.shape_cast %swap3A_1324 : vector<1x1x128xf32> to vector<1x128xf32>
      %swap3A_1326 = vector.shape_cast %slice3A_1320 : vector<1x128xf32> to vector<1x1x128xf32>
      tpu.vector_store %arg4[%swap3A_1321, %swap3A_1322, %swap3A_1323], %swap3A_1326 {strides = array<i32>} : memref<8x8x128xf32, #tpu.memory_space<vmem>>, vector<1x1x128xf32>,
      %slice3A_1327 = vector.extract_strided_slice %select_n3A_1262 {offsets = [0, 0], sizes = [1, 128], strides = [1, 1]} : vector<8x128xf32> to vector<1x128xf32>
      %swap3A_1328 = arith.constant 0 : index
      %swap3A_1329 = arith.index_cast %select_n3A_809 : i32 to index
      %swap3A_1330 = arith.constant 0 : index
      %swap3A_1331 = vector.load %arg5[%swap3A_1328, %swap3A_1329, %swap3A_1330] : memref<8x8x128xf32, #tpu.memory_space<vmem>>, vector<1x1x128xf32>
      %swap3A_1332 = vector.shape_cast %swap3A_1331 : vector<1x1x128xf32> to vector<1x128xf32>
      %swap3A_1333 = vector.shape_cast %slice3A_1327 : vector<1x128xf32> to vector<1x1x128xf32>
      tpu.vector_store %arg5[%swap3A_1328, %swap3A_1329, %swap3A_1330], %swap3A_1333 {strides = array<i32>} : memref<8x8x128xf32, #tpu.memory_space<vmem>>, vector<1x1x128xf32>,
      %slice3A_1334 = vector.extract_strided_slice %select_n3A_1263 {offsets = [0, 0], sizes = [1, 128], strides = [1, 1]} : vector<8x128xf32> to vector<1x128xf32>
      %swap3A_1335 = arith.constant 0 : index
      %swap3A_1336 = arith.index_cast %select_n3A_809 : i32 to index
      %swap3A_1337 = arith.constant 0 : index
      %swap3A_1338 = vector.load %arg6[%swap3A_1335, %swap3A_1336, %swap3A_1337] : memref<8x8x128xf32, #tpu.memory_space<vmem>>, vector<1x1x128xf32>
      %swap3A_1339 = vector.shape_cast %swap3A_1338 : vector<1x1x128xf32> to vector<1x128xf32>
      %swap3A_1340 = vector.shape_cast %slice3A_1334 : vector<1x128xf32> to vector<1x1x128xf32>
      tpu.vector_store %arg6[%swap3A_1335, %swap3A_1336, %swap3A_1337], %swap3A_1340 {strides = array<i32>} : memref<8x8x128xf32, #tpu.memory_space<vmem>>, vector<1x1x128xf32>,
      %slice3A_1341 = vector.extract_strided_slice %select_n3A_1260 {offsets = [1, 0], sizes = [1, 128], strides = [1, 1]} : vector<8x128xi32> to vector<1x128xi32>
      %swap3A_1342 = arith.constant 1 : index
      %swap3A_1343 = arith.index_cast %select_n3A_809 : i32 to index
      %swap3A_1344 = arith.constant 0 : index
      %swap3A_1345 = vector.load %arg3[%swap3A_1342, %swap3A_1343, %swap3A_1344] : memref<8x8x128xi32, #tpu.memory_space<vmem>>, vector<1x1x128xi32>
      %swap3A_1346 = vector.shape_cast %swap3A_1345 : vector<1x1x128xi32> to vector<1x128xi32>
      %swap3A_1347 = vector.shape_cast %slice3A_1341 : vector<1x128xi32> to vector<1x1x128xi32>
      tpu.vector_store %arg3[%swap3A_1342, %swap3A_1343, %swap3A_1344], %swap3A_1347 {strides = array<i32>} : memref<8x8x128xi32, #tpu.memory_space<vmem>>, vector<1x1x128xi32>,
      %slice3A_1348 = vector.extract_strided_slice %select_n3A_1261 {offsets = [1, 0], sizes = [1, 128], strides = [1, 1]} : vector<8x128xf32> to vector<1x128xf32>
      %swap3A_1349 = arith.constant 1 : index
      %swap3A_1350 = arith.index_cast %select_n3A_809 : i32 to index
      %swap3A_1351 = arith.constant 0 : index
      %swap3A_1352 = vector.load %arg4[%swap3A_1349, %swap3A_1350, %swap3A_1351] : memref<8x8x128xf32, #tpu.memory_space<vmem>>, vector<1x1x128xf32>
      %swap3A_1353 = vector.shape_cast %swap3A_1352 : vector<1x1x128xf32> to vector<1x128xf32>
      %swap3A_1354 = vector.shape_cast %slice3A_1348 : vector<1x128xf32> to vector<1x1x128xf32>
      tpu.vector_store %arg4[%swap3A_1349, %swap3A_1350, %swap3A_1351], %swap3A_1354 {strides = array<i32>} : memref<8x8x128xf32, #tpu.memory_space<vmem>>, vector<1x1x128xf32>,
      %slice3A_1355 = vector.extract_strided_slice %select_n3A_1262 {offsets = [1, 0], sizes = [1, 128], strides = [1, 1]} : vector<8x128xf32> to vector<1x128xf32>
      %swap3A_1356 = arith.constant 1 : index
      %swap3A_1357 = arith.index_cast %select_n3A_809 : i32 to index
      %swap3A_1358 = arith.constant 0 : index
      %swap3A_1359 = vector.load %arg5[%swap3A_1356, %swap3A_1357, %swap3A_1358] : memref<8x8x128xf32, #tpu.memory_space<vmem>>, vector<1x1x128xf32>
      %swap3A_1360 = vector.shape_cast %swap3A_1359 : vector<1x1x128xf32> to vector<1x128xf32>
      %swap3A_1361 = vector.shape_cast %slice3A_1355 : vector<1x128xf32> to vector<1x1x128xf32>
      tpu.vector_store %arg5[%swap3A_1356, %swap3A_1357, %swap3A_1358], %swap3A_1361 {strides = array<i32>} : memref<8x8x128xf32, #tpu.memory_space<vmem>>, vector<1x1x128xf32>,
      %slice3A_1362 = vector.extract_strided_slice %select_n3A_1263 {offsets = [1, 0], sizes = [1, 128], strides = [1, 1]} : vector<8x128xf32> to vector<1x128xf32>
      %swap3A_1363 = arith.constant 1 : index
      %swap3A_1364 = arith.index_cast %select_n3A_809 : i32 to index
      %swap3A_1365 = arith.constant 0 : index
      %swap3A_1366 = vector.load %arg6[%swap3A_1363, %swap3A_1364, %swap3A_1365] : memref<8x8x128xf32, #tpu.memory_space<vmem>>, vector<1x1x128xf32>
      %swap3A_1367 = vector.shape_cast %swap3A_1366 : vector<1x1x128xf32> to vector<1x128xf32>
      %swap3A_1368 = vector.shape_cast %slice3A_1362 : vector<1x128xf32> to vector<1x1x128xf32>
      tpu.vector_store %arg6[%swap3A_1363, %swap3A_1364, %swap3A_1365], %swap3A_1368 {strides = array<i32>} : memref<8x8x128xf32, #tpu.memory_space<vmem>>, vector<1x1x128xf32>,
      %slice3A_1369 = vector.extract_strided_slice %select_n3A_1260 {offsets = [2, 0], sizes = [1, 128], strides = [1, 1]} : vector<8x128xi32> to vector<1x128xi32>
      %swap3A_1370 = arith.constant 2 : index
      %swap3A_1371 = arith.index_cast %select_n3A_809 : i32 to index
      %swap3A_1372 = arith.constant 0 : index
      %swap3A_1373 = vector.load %arg3[%swap3A_1370, %swap3A_1371, %swap3A_1372] : memref<8x8x128xi32, #tpu.memory_space<vmem>>, vector<1x1x128xi32>
      %swap3A_1374 = vector.shape_cast %swap3A_1373 : vector<1x1x128xi32> to vector<1x128xi32>
      %swap3A_1375 = vector.shape_cast %slice3A_1369 : vector<1x128xi32> to vector<1x1x128xi32>
      tpu.vector_store %arg3[%swap3A_1370, %swap3A_1371, %swap3A_1372], %swap3A_1375 {strides = array<i32>} : memref<8x8x128xi32, #tpu.memory_space<vmem>>, vector<1x1x128xi32>,
      %slice3A_1376 = vector.extract_strided_slice %select_n3A_1261 {offsets = [2, 0], sizes = [1, 128], strides = [1, 1]} : vector<8x128xf32> to vector<1x128xf32>
      %swap3A_1377 = arith.constant 2 : index
      %swap3A_1378 = arith.index_cast %select_n3A_809 : i32 to index
      %swap3A_1379 = arith.constant 0 : index
      %swap3A_1380 = vector.load %arg4[%swap3A_1377, %swap3A_1378, %swap3A_1379] : memref<8x8x128xf32, #tpu.memory_space<vmem>>, vector<1x1x128xf32>
      %swap3A_1381 = vector.shape_cast %swap3A_1380 : vector<1x1x128xf32> to vector<1x128xf32>
      %swap3A_1382 = vector.shape_cast %slice3A_1376 : vector<1x128xf32> to vector<1x1x128xf32>
      tpu.vector_store %arg4[%swap3A_1377, %swap3A_1378, %swap3A_1379], %swap3A_1382 {strides = array<i32>} : memref<8x8x128xf32, #tpu.memory_space<vmem>>, vector<1x1x128xf32>,
      %slice3A_1383 = vector.extract_strided_slice %select_n3A_1262 {offsets = [2, 0], sizes = [1, 128], strides = [1, 1]} : vector<8x128xf32> to vector<1x128xf32>
      %swap3A_1384 = arith.constant 2 : index
      %swap3A_1385 = arith.index_cast %select_n3A_809 : i32 to index
      %swap3A_1386 = arith.constant 0 : index
      %swap3A_1387 = vector.load %arg5[%swap3A_1384, %swap3A_1385, %swap3A_1386] : memref<8x8x128xf32, #tpu.memory_space<vmem>>, vector<1x1x128xf32>
      %swap3A_1388 = vector.shape_cast %swap3A_1387 : vector<1x1x128xf32> to vector<1x128xf32>
      %swap3A_1389 = vector.shape_cast %slice3A_1383 : vector<1x128xf32> to vector<1x1x128xf32>
      tpu.vector_store %arg5[%swap3A_1384, %swap3A_1385, %swap3A_1386], %swap3A_1389 {strides = array<i32>} : memref<8x8x128xf32, #tpu.memory_space<vmem>>, vector<1x1x128xf32>,
      %slice3A_1390 = vector.extract_strided_slice %select_n3A_1263 {offsets = [2, 0], sizes = [1, 128], strides = [1, 1]} : vector<8x128xf32> to vector<1x128xf32>
      %swap3A_1391 = arith.constant 2 : index
      %swap3A_1392 = arith.index_cast %select_n3A_809 : i32 to index
      %swap3A_1393 = arith.constant 0 : index
      %swap3A_1394 = vector.load %arg6[%swap3A_1391, %swap3A_1392, %swap3A_1393] : memref<8x8x128xf32, #tpu.memory_space<vmem>>, vector<1x1x128xf32>
      %swap3A_1395 = vector.shape_cast %swap3A_1394 : vector<1x1x128xf32> to vector<1x128xf32>
      %swap3A_1396 = vector.shape_cast %slice3A_1390 : vector<1x128xf32> to vector<1x1x128xf32>
      tpu.vector_store %arg6[%swap3A_1391, %swap3A_1392, %swap3A_1393], %swap3A_1396 {strides = array<i32>} : memref<8x8x128xf32, #tpu.memory_space<vmem>>, vector<1x1x128xf32>,
      %slice3A_1397 = vector.extract_strided_slice %select_n3A_1260 {offsets = [3, 0], sizes = [1, 128], strides = [1, 1]} : vector<8x128xi32> to vector<1x128xi32>
      %swap3A_1398 = arith.constant 3 : index
      %swap3A_1399 = arith.index_cast %select_n3A_809 : i32 to index
      %swap3A_1400 = arith.constant 0 : index
      %swap3A_1401 = vector.load %arg3[%swap3A_1398, %swap3A_1399, %swap3A_1400] : memref<8x8x128xi32, #tpu.memory_space<vmem>>, vector<1x1x128xi32>
      %swap3A_1402 = vector.shape_cast %swap3A_1401 : vector<1x1x128xi32> to vector<1x128xi32>
      %swap3A_1403 = vector.shape_cast %slice3A_1397 : vector<1x128xi32> to vector<1x1x128xi32>
      tpu.vector_store %arg3[%swap3A_1398, %swap3A_1399, %swap3A_1400], %swap3A_1403 {strides = array<i32>} : memref<8x8x128xi32, #tpu.memory_space<vmem>>, vector<1x1x128xi32>,
      %slice3A_1404 = vector.extract_strided_slice %select_n3A_1261 {offsets = [3, 0], sizes = [1, 128], strides = [1, 1]} : vector<8x128xf32> to vector<1x128xf32>
      %swap3A_1405 = arith.constant 3 : index
      %swap3A_1406 = arith.index_cast %select_n3A_809 : i32 to index
      %swap3A_1407 = arith.constant 0 : index
      %swap3A_1408 = vector.load %arg4[%swap3A_1405, %swap3A_1406, %swap3A_1407] : memref<8x8x128xf32, #tpu.memory_space<vmem>>, vector<1x1x128xf32>
      %swap3A_1409 = vector.shape_cast %swap3A_1408 : vector<1x1x128xf32> to vector<1x128xf32>
      %swap3A_1410 = vector.shape_cast %slice3A_1404 : vector<1x128xf32> to vector<1x1x128xf32>
      tpu.vector_store %arg4[%swap3A_1405, %swap3A_1406, %swap3A_1407], %swap3A_1410 {strides = array<i32>} : memref<8x8x128xf32, #tpu.memory_space<vmem>>, vector<1x1x128xf32>,
      %slice3A_1411 = vector.extract_strided_slice %select_n3A_1262 {offsets = [3, 0], sizes = [1, 128], strides = [1, 1]} : vector<8x128xf32> to vector<1x128xf32>
      %swap3A_1412 = arith.constant 3 : index
      %swap3A_1413 = arith.index_cast %select_n3A_809 : i32 to index
      %swap3A_1414 = arith.constant 0 : index
      %swap3A_1415 = vector.load %arg5[%swap3A_1412, %swap3A_1413, %swap3A_1414] : memref<8x8x128xf32, #tpu.memory_space<vmem>>, vector<1x1x128xf32>
      %swap3A_1416 = vector.shape_cast %swap3A_1415 : vector<1x1x128xf32> to vector<1x128xf32>
      %swap3A_1417 = vector.shape_cast %slice3A_1411 : vector<1x128xf32> to vector<1x1x128xf32>
      tpu.vector_store %arg5[%swap3A_1412, %swap3A_1413, %swap3A_1414], %swap3A_1417 {strides = array<i32>} : memref<8x8x128xf32, #tpu.memory_space<vmem>>, vector<1x1x128xf32>,
      %slice3A_1418 = vector.extract_strided_slice %select_n3A_1263 {offsets = [3, 0], sizes = [1, 128], strides = [1, 1]} : vector<8x128xf32> to vector<1x128xf32>
      %swap3A_1419 = arith.constant 3 : index
      %swap3A_1420 = arith.index_cast %select_n3A_809 : i32 to index
      %swap3A_1421 = arith.constant 0 : index
      %swap3A_1422 = vector.load %arg6[%swap3A_1419, %swap3A_1420, %swap3A_1421] : memref<8x8x128xf32, #tpu.memory_space<vmem>>, vector<1x1x128xf32>
      %swap3A_1423 = vector.shape_cast %swap3A_1422 : vector<1x1x128xf32> to vector<1x128xf32>
      %swap3A_1424 = vector.shape_cast %slice3A_1418 : vector<1x128xf32> to vector<1x1x128xf32>
      tpu.vector_store %arg6[%swap3A_1419, %swap3A_1420, %swap3A_1421], %swap3A_1424 {strides = array<i32>} : memref<8x8x128xf32, #tpu.memory_space<vmem>>, vector<1x1x128xf32>,
      %slice3A_1425 = vector.extract_strided_slice %select_n3A_1260 {offsets = [4, 0], sizes = [1, 128], strides = [1, 1]} : vector<8x128xi32> to vector<1x128xi32>
      %swap3A_1426 = arith.constant 4 : index
      %swap3A_1427 = arith.index_cast %select_n3A_809 : i32 to index
      %swap3A_1428 = arith.constant 0 : index
      %swap3A_1429 = vector.load %arg3[%swap3A_1426, %swap3A_1427, %swap3A_1428] : memref<8x8x128xi32, #tpu.memory_space<vmem>>, vector<1x1x128xi32>
      %swap3A_1430 = vector.shape_cast %swap3A_1429 : vector<1x1x128xi32> to vector<1x128xi32>
      %swap3A_1431 = vector.shape_cast %slice3A_1425 : vector<1x128xi32> to vector<1x1x128xi32>
      tpu.vector_store %arg3[%swap3A_1426, %swap3A_1427, %swap3A_1428], %swap3A_1431 {strides = array<i32>} : memref<8x8x128xi32, #tpu.memory_space<vmem>>, vector<1x1x128xi32>,
      %slice3A_1432 = vector.extract_strided_slice %select_n3A_1261 {offsets = [4, 0], sizes = [1, 128], strides = [1, 1]} : vector<8x128xf32> to vector<1x128xf32>
      %swap3A_1433 = arith.constant 4 : index
      %swap3A_1434 = arith.index_cast %select_n3A_809 : i32 to index
      %swap3A_1435 = arith.constant 0 : index
      %swap3A_1436 = vector.load %arg4[%swap3A_1433, %swap3A_1434, %swap3A_1435] : memref<8x8x128xf32, #tpu.memory_space<vmem>>, vector<1x1x128xf32>
      %swap3A_1437 = vector.shape_cast %swap3A_1436 : vector<1x1x128xf32> to vector<1x128xf32>
      %swap3A_1438 = vector.shape_cast %slice3A_1432 : vector<1x128xf32> to vector<1x1x128xf32>
      tpu.vector_store %arg4[%swap3A_1433, %swap3A_1434, %swap3A_1435], %swap3A_1438 {strides = array<i32>} : memref<8x8x128xf32, #tpu.memory_space<vmem>>, vector<1x1x128xf32>,
      %slice3A_1439 = vector.extract_strided_slice %select_n3A_1262 {offsets = [4, 0], sizes = [1, 128], strides = [1, 1]} : vector<8x128xf32> to vector<1x128xf32>
      %swap3A_1440 = arith.constant 4 : index
      %swap3A_1441 = arith.index_cast %select_n3A_809 : i32 to index
      %swap3A_1442 = arith.constant 0 : index
      %swap3A_1443 = vector.load %arg5[%swap3A_1440, %swap3A_1441, %swap3A_1442] : memref<8x8x128xf32, #tpu.memory_space<vmem>>, vector<1x1x128xf32>
      %swap3A_1444 = vector.shape_cast %swap3A_1443 : vector<1x1x128xf32> to vector<1x128xf32>
      %swap3A_1445 = vector.shape_cast %slice3A_1439 : vector<1x128xf32> to vector<1x1x128xf32>
      tpu.vector_store %arg5[%swap3A_1440, %swap3A_1441, %swap3A_1442], %swap3A_1445 {strides = array<i32>} : memref<8x8x128xf32, #tpu.memory_space<vmem>>, vector<1x1x128xf32>,
      %slice3A_1446 = vector.extract_strided_slice %select_n3A_1263 {offsets = [4, 0], sizes = [1, 128], strides = [1, 1]} : vector<8x128xf32> to vector<1x128xf32>
      %swap3A_1447 = arith.constant 4 : index
      %swap3A_1448 = arith.index_cast %select_n3A_809 : i32 to index
      %swap3A_1449 = arith.constant 0 : index
      %swap3A_1450 = vector.load %arg6[%swap3A_1447, %swap3A_1448, %swap3A_1449] : memref<8x8x128xf32, #tpu.memory_space<vmem>>, vector<1x1x128xf32>
      %swap3A_1451 = vector.shape_cast %swap3A_1450 : vector<1x1x128xf32> to vector<1x128xf32>
      %swap3A_1452 = vector.shape_cast %slice3A_1446 : vector<1x128xf32> to vector<1x1x128xf32>
      tpu.vector_store %arg6[%swap3A_1447, %swap3A_1448, %swap3A_1449], %swap3A_1452 {strides = array<i32>} : memref<8x8x128xf32, #tpu.memory_space<vmem>>, vector<1x1x128xf32>,
      %slice3A_1453 = vector.extract_strided_slice %select_n3A_1260 {offsets = [5, 0], sizes = [1, 128], strides = [1, 1]} : vector<8x128xi32> to vector<1x128xi32>
      %swap3A_1454 = arith.constant 5 : index
      %swap3A_1455 = arith.index_cast %select_n3A_809 : i32 to index
      %swap3A_1456 = arith.constant 0 : index
      %swap3A_1457 = vector.load %arg3[%swap3A_1454, %swap3A_1455, %swap3A_1456] : memref<8x8x128xi32, #tpu.memory_space<vmem>>, vector<1x1x128xi32>
      %swap3A_1458 = vector.shape_cast %swap3A_1457 : vector<1x1x128xi32> to vector<1x128xi32>
      %swap3A_1459 = vector.shape_cast %slice3A_1453 : vector<1x128xi32> to vector<1x1x128xi32>
      tpu.vector_store %arg3[%swap3A_1454, %swap3A_1455, %swap3A_1456], %swap3A_1459 {strides = array<i32>} : memref<8x8x128xi32, #tpu.memory_space<vmem>>, vector<1x1x128xi32>,
      %slice3A_1460 = vector.extract_strided_slice %select_n3A_1261 {offsets = [5, 0], sizes = [1, 128], strides = [1, 1]} : vector<8x128xf32> to vector<1x128xf32>
      %swap3A_1461 = arith.constant 5 : index
      %swap3A_1462 = arith.index_cast %select_n3A_809 : i32 to index
      %swap3A_1463 = arith.constant 0 : index
      %swap3A_1464 = vector.load %arg4[%swap3A_1461, %swap3A_1462, %swap3A_1463] : memref<8x8x128xf32, #tpu.memory_space<vmem>>, vector<1x1x128xf32>
      %swap3A_1465 = vector.shape_cast %swap3A_1464 : vector<1x1x128xf32> to vector<1x128xf32>
      %swap3A_1466 = vector.shape_cast %slice3A_1460 : vector<1x128xf32> to vector<1x1x128xf32>
      tpu.vector_store %arg4[%swap3A_1461, %swap3A_1462, %swap3A_1463], %swap3A_1466 {strides = array<i32>} : memref<8x8x128xf32, #tpu.memory_space<vmem>>, vector<1x1x128xf32>,
      %slice3A_1467 = vector.extract_strided_slice %select_n3A_1262 {offsets = [5, 0], sizes = [1, 128], strides = [1, 1]} : vector<8x128xf32> to vector<1x128xf32>
      %swap3A_1468 = arith.constant 5 : index
      %swap3A_1469 = arith.index_cast %select_n3A_809 : i32 to index
      %swap3A_1470 = arith.constant 0 : index
      %swap3A_1471 = vector.load %arg5[%swap3A_1468, %swap3A_1469, %swap3A_1470] : memref<8x8x128xf32, #tpu.memory_space<vmem>>, vector<1x1x128xf32>
      %swap3A_1472 = vector.shape_cast %swap3A_1471 : vector<1x1x128xf32> to vector<1x128xf32>
      %swap3A_1473 = vector.shape_cast %slice3A_1467 : vector<1x128xf32> to vector<1x1x128xf32>
      tpu.vector_store %arg5[%swap3A_1468, %swap3A_1469, %swap3A_1470], %swap3A_1473 {strides = array<i32>} : memref<8x8x128xf32, #tpu.memory_space<vmem>>, vector<1x1x128xf32>,
      %slice3A_1474 = vector.extract_strided_slice %select_n3A_1263 {offsets = [5, 0], sizes = [1, 128], strides = [1, 1]} : vector<8x128xf32> to vector<1x128xf32>
      %swap3A_1475 = arith.constant 5 : index
      %swap3A_1476 = arith.index_cast %select_n3A_809 : i32 to index
      %swap3A_1477 = arith.constant 0 : index
      %swap3A_1478 = vector.load %arg6[%swap3A_1475, %swap3A_1476, %swap3A_1477] : memref<8x8x128xf32, #tpu.memory_space<vmem>>, vector<1x1x128xf32>
      %swap3A_1479 = vector.shape_cast %swap3A_1478 : vector<1x1x128xf32> to vector<1x128xf32>
      %swap3A_1480 = vector.shape_cast %slice3A_1474 : vector<1x128xf32> to vector<1x1x128xf32>
      tpu.vector_store %arg6[%swap3A_1475, %swap3A_1476, %swap3A_1477], %swap3A_1480 {strides = array<i32>} : memref<8x8x128xf32, #tpu.memory_space<vmem>>, vector<1x1x128xf32>,
      %slice3A_1481 = vector.extract_strided_slice %select_n3A_1260 {offsets = [6, 0], sizes = [1, 128], strides = [1, 1]} : vector<8x128xi32> to vector<1x128xi32>
      %swap3A_1482 = arith.constant 6 : index
      %swap3A_1483 = arith.index_cast %select_n3A_809 : i32 to index
      %swap3A_1484 = arith.constant 0 : index
      %swap3A_1485 = vector.load %arg3[%swap3A_1482, %swap3A_1483, %swap3A_1484] : memref<8x8x128xi32, #tpu.memory_space<vmem>>, vector<1x1x128xi32>
      %swap3A_1486 = vector.shape_cast %swap3A_1485 : vector<1x1x128xi32> to vector<1x128xi32>
      %swap3A_1487 = vector.shape_cast %slice3A_1481 : vector<1x128xi32> to vector<1x1x128xi32>
      tpu.vector_store %arg3[%swap3A_1482, %swap3A_1483, %swap3A_1484], %swap3A_1487 {strides = array<i32>} : memref<8x8x128xi32, #tpu.memory_space<vmem>>, vector<1x1x128xi32>,
      %slice3A_1488 = vector.extract_strided_slice %select_n3A_1261 {offsets = [6, 0], sizes = [1, 128], strides = [1, 1]} : vector<8x128xf32> to vector<1x128xf32>
      %swap3A_1489 = arith.constant 6 : index
      %swap3A_1490 = arith.index_cast %select_n3A_809 : i32 to index
      %swap3A_1491 = arith.constant 0 : index
      %swap3A_1492 = vector.load %arg4[%swap3A_1489, %swap3A_1490, %swap3A_1491] : memref<8x8x128xf32, #tpu.memory_space<vmem>>, vector<1x1x128xf32>
      %swap3A_1493 = vector.shape_cast %swap3A_1492 : vector<1x1x128xf32> to vector<1x128xf32>
      %swap3A_1494 = vector.shape_cast %slice3A_1488 : vector<1x128xf32> to vector<1x1x128xf32>
      tpu.vector_store %arg4[%swap3A_1489, %swap3A_1490, %swap3A_1491], %swap3A_1494 {strides = array<i32>} : memref<8x8x128xf32, #tpu.memory_space<vmem>>, vector<1x1x128xf32>,
      %slice3A_1495 = vector.extract_strided_slice %select_n3A_1262 {offsets = [6, 0], sizes = [1, 128], strides = [1, 1]} : vector<8x128xf32> to vector<1x128xf32>
      %swap3A_1496 = arith.constant 6 : index
      %swap3A_1497 = arith.index_cast %select_n3A_809 : i32 to index
      %swap3A_1498 = arith.constant 0 : index
      %swap3A_1499 = vector.load %arg5[%swap3A_1496, %swap3A_1497, %swap3A_1498] : memref<8x8x128xf32, #tpu.memory_space<vmem>>, vector<1x1x128xf32>
      %swap3A_1500 = vector.shape_cast %swap3A_1499 : vector<1x1x128xf32> to vector<1x128xf32>
      %swap3A_1501 = vector.shape_cast %slice3A_1495 : vector<1x128xf32> to vector<1x1x128xf32>
      tpu.vector_store %arg5[%swap3A_1496, %swap3A_1497, %swap3A_1498], %swap3A_1501 {strides = array<i32>} : memref<8x8x128xf32, #tpu.memory_space<vmem>>, vector<1x1x128xf32>,
      %slice3A_1502 = vector.extract_strided_slice %select_n3A_1263 {offsets = [6, 0], sizes = [1, 128], strides = [1, 1]} : vector<8x128xf32> to vector<1x128xf32>
      %swap3A_1503 = arith.constant 6 : index
      %swap3A_1504 = arith.index_cast %select_n3A_809 : i32 to index
      %swap3A_1505 = arith.constant 0 : index
      %swap3A_1506 = vector.load %arg6[%swap3A_1503, %swap3A_1504, %swap3A_1505] : memref<8x8x128xf32, #tpu.memory_space<vmem>>, vector<1x1x128xf32>
      %swap3A_1507 = vector.shape_cast %swap3A_1506 : vector<1x1x128xf32> to vector<1x128xf32>
      %swap3A_1508 = vector.shape_cast %slice3A_1502 : vector<1x128xf32> to vector<1x1x128xf32>
      tpu.vector_store %arg6[%swap3A_1503, %swap3A_1504, %swap3A_1505], %swap3A_1508 {strides = array<i32>} : memref<8x8x128xf32, #tpu.memory_space<vmem>>, vector<1x1x128xf32>,
      %slice3A_1509 = vector.extract_strided_slice %select_n3A_1260 {offsets = [7, 0], sizes = [1, 128], strides = [1, 1]} : vector<8x128xi32> to vector<1x128xi32>
      %swap3A_1510 = arith.constant 7 : index
      %swap3A_1511 = arith.index_cast %select_n3A_809 : i32 to index
      %swap3A_1512 = arith.constant 0 : index
      %swap3A_1513 = vector.load %arg3[%swap3A_1510, %swap3A_1511, %swap3A_1512] : memref<8x8x128xi32, #tpu.memory_space<vmem>>, vector<1x1x128xi32>
      %swap3A_1514 = vector.shape_cast %swap3A_1513 : vector<1x1x128xi32> to vector<1x128xi32>
      %swap3A_1515 = vector.shape_cast %slice3A_1509 : vector<1x128xi32> to vector<1x1x128xi32>
      tpu.vector_store %arg3[%swap3A_1510, %swap3A_1511, %swap3A_1512], %swap3A_1515 {strides = array<i32>} : memref<8x8x128xi32, #tpu.memory_space<vmem>>, vector<1x1x128xi32>,
      %slice3A_1516 = vector.extract_strided_slice %select_n3A_1261 {offsets = [7, 0], sizes = [1, 128], strides = [1, 1]} : vector<8x128xf32> to vector<1x128xf32>
      %swap3A_1517 = arith.constant 7 : index
      %swap3A_1518 = arith.index_cast %select_n3A_809 : i32 to index
      %swap3A_1519 = arith.constant 0 : index
      %swap3A_1520 = vector.load %arg4[%swap3A_1517, %swap3A_1518, %swap3A_1519] : memref<8x8x128xf32, #tpu.memory_space<vmem>>, vector<1x1x128xf32>
      %swap3A_1521 = vector.shape_cast %swap3A_1520 : vector<1x1x128xf32> to vector<1x128xf32>
      %swap3A_1522 = vector.shape_cast %slice3A_1516 : vector<1x128xf32> to vector<1x1x128xf32>
      tpu.vector_store %arg4[%swap3A_1517, %swap3A_1518, %swap3A_1519], %swap3A_1522 {strides = array<i32>} : memref<8x8x128xf32, #tpu.memory_space<vmem>>, vector<1x1x128xf32>,
      %slice3A_1523 = vector.extract_strided_slice %select_n3A_1262 {offsets = [7, 0], sizes = [1, 128], strides = [1, 1]} : vector<8x128xf32> to vector<1x128xf32>
      %swap3A_1524 = arith.constant 7 : index
      %swap3A_1525 = arith.index_cast %select_n3A_809 : i32 to index
      %swap3A_1526 = arith.constant 0 : index
      %swap3A_1527 = vector.load %arg5[%swap3A_1524, %swap3A_1525, %swap3A_1526] : memref<8x8x128xf32, #tpu.memory_space<vmem>>, vector<1x1x128xf32>
      %swap3A_1528 = vector.shape_cast %swap3A_1527 : vector<1x1x128xf32> to vector<1x128xf32>
      %swap3A_1529 = vector.shape_cast %slice3A_1523 : vector<1x128xf32> to vector<1x1x128xf32>
      tpu.vector_store %arg5[%swap3A_1524, %swap3A_1525, %swap3A_1526], %swap3A_1529 {strides = array<i32>} : memref<8x8x128xf32, #tpu.memory_space<vmem>>, vector<1x1x128xf32>,
      %slice3A_1530 = vector.extract_strided_slice %select_n3A_1263 {offsets = [7, 0], sizes = [1, 128], strides = [1, 1]} : vector<8x128xf32> to vector<1x128xf32>
      %swap3A_1531 = arith.constant 7 : index
      %swap3A_1532 = arith.index_cast %select_n3A_809 : i32 to index
      %swap3A_1533 = arith.constant 0 : index
      %swap3A_1534 = vector.load %arg6[%swap3A_1531, %swap3A_1532, %swap3A_1533] : memref<8x8x128xf32, #tpu.memory_space<vmem>>, vector<1x1x128xf32>
      %swap3A_1535 = vector.shape_cast %swap3A_1534 : vector<1x1x128xf32> to vector<1x128xf32>
      %swap3A_1536 = vector.shape_cast %slice3A_1530 : vector<1x128xf32> to vector<1x1x128xf32>
      tpu.vector_store %arg6[%swap3A_1531, %swap3A_1532, %swap3A_1533], %swap3A_1536 {strides = array<i32>} : memref<8x8x128xf32, #tpu.memory_space<vmem>>, vector<1x1x128xf32>,
      %reduce_max3A_1537 = arith.constant dense<0xFF800000> : vector<8xf32>
      %reduce_max3A_1538 = vector.multi_reduction <maximumf>, %reduce_max3A_1303, %reduce_max3A_1537 [1] : vector<8x128xf32> to vector<8xf32>
      %broadcast_in_dim3A_1539 = vector.shape_cast %reduce_max3A_1538 : vector<8xf32> to vector<8x1xf32>
      %mul3A_1540 = arith.constant 128 : i32
      %mul3A_1541 = vector.broadcast %mul3A_1540 : i32 to vector<8x128xi32>
      %mul3A_1542 = arith.muli %reduce_min3A_1312, %mul3A_1541 : vector<8x128xi32>
      %iota3A_1543 = tpu.iota {dimensions = array<i32: 1>} : vector<8x128xi32>
      %add3A_1544 = arith.addi %mul3A_1542, %iota3A_1543 : vector<8x128xi32>
      %convert_element_type3A_1545 = arith.sitofp %add3A_1544 : vector<8x128xi32> to vector<8x128xf32>
      %broadcast_in_dim3A_1546 = vector.shape_cast %broadcast_in_dim3A_1539 : vector<8x1xf32> to vector<8x1xf32>
      %broadcast_in_dim3A_1547 = vector.broadcast %broadcast_in_dim3A_1546 : vector<8x1xf32> to vector<8x128xf32>
      %eq3A_1548 = arith.cmpf oeq, %reduce_max3A_1303, %broadcast_in_dim3A_1547 : vector<8x128xf32>
      %jit3A_1549 = arith.constant 1.07374182E+9 : f32
      %broadcast_in_dim3A_1550 = vector.broadcast %jit3A_1549 : f32 to vector<8x128xf32>
      %select_n3A_1551 = arith.select %eq3A_1548, %convert_element_type3A_1545, %broadcast_in_dim3A_1550 : vector<8x128xi1>, vector<8x128xf32>
      %reduce_min3A_1552 = arith.constant dense<0x7F800000> : vector<8xf32>
      %reduce_min3A_1553 = vector.multi_reduction <minimumf>, %select_n3A_1551, %reduce_min3A_1552 [1] : vector<8x128xf32> to vector<8xf32>
      %broadcast_in_dim3A_1554 = vector.shape_cast %reduce_min3A_1553 : vector<8xf32> to vector<8x1xf32>
      %convert_element_type3A_1555 = arith.fptosi %broadcast_in_dim3A_1554 : vector<8x1xf32> to vector<8x1xi32>
      scf.yield %convert_element_type3A_1555, %select_n3A_1260, %select_n3A_1261, %select_n3A_1262, %select_n3A_1263 : vector<8x1xi32>, vector<8x128xi32>, vector<8x128xf32>, vector<8x128xf32>, vector<8x128xf32>
    }
    %scan3A_761 = arith.constant 1023 : i32
    return
  }
}

</mosaic_0001>

<sc_bundles>
// kernel: kernel.5.cloned.1.call-start
scs
__scs_entry_jumppad:
0x0: {  	(pc) =	sbr.rel $0x88, $3  }
0x1: {  	(tag) =	ssettag $0x0;
	lr =	simm.s32 $0x1  }
0x2: {  	[smem:$0x3F9D] =	sst lr;
	_ =	strace $0xD0000000  }
0x3: {  	_ = 	snop  }
0x4: {  	_ = 	snop  }
0x5: {  	_ = 	snop  }
0x6: {  	_ = 	snop  }
0x7: {  	_ = 	snop  }
__scs_overlays_trampoline_lowered:
0x8: {  	[smem:$0x3FAC] =	sst s0  }
0x9: {  	[smem:$0x3FAD] =	sst s1  }
0xa: {  	[smem:$0x3FAE] =	sst s2  }
0xb: {  	[smem:$0x3FAF] =	sst s3  }
0xc: {  	[smem:$0x3FB0] =	sst s4  }
0xd: {  	[smem:$0x3FB1] =	sst s5  }
0xe: {  	[smem:$0x3FB2] =	sst s6  }
0xf: {  	[smem:$0x3FB3] =	sst s7  }
0x10: {  	[smem:$0x3FB4] =	sst s8  }
0x11: {  	[smem:$0x3FB5] =	sst s9;
	s0 =	simm.s32 @!p0 $0x0  }
0x12: {  	s1 =	sld [smem:$0x3F9B];
	s0 =	simm.s32 @p0 $0x1  }
0x13: {  	[smem:$0x3FB6] =	sst s0;
	s0 =	simm.s32 @!p1 $0x0  }
0x14: {  	s2 =	sld [smem:$0x3F9A];
	s0 =	simm.s32 @p1 $0x1  }
0x15: {  	[smem:$0x3FB7] =	sst s0;
	s0 =	simm.s32 @!p2 $0x0  }
0x16: {  	s3 =	sld [smem:$0x3FDB];
	s0 =	simm.s32 @p2 $0x1  }
0x17: {  	s4 =	simm.s32 $0x1BF5;
	[smem:$0x3FB9] =	sst s0  }
0x18: {  	s0 =	sld [smem:$0x3F9C];
	_ =	swait.ge [sflag:s4], $0x0  }
0x19: {  	s7 =	sld [smem:$0x3F9D]  }
0x1a: {  	s8 =	sadd.s32 $0xFFFFE003, lr  }
0x1b: {  	s9 =	sadd.s32 $0xFFFFFEF7, lr;
	s5 =	simm.s32 $0xFFFFFFFF;
	p2 =	slt.u32 s8, $0xFFFFF086  }
0x1c: {  	p1 =	slt.u32 s9, $0xF7A;
	s5 =	simm.s32 @!p2 $0x0  }
0x1d: {  	s5 =	simm.s32 @p1 $0x1;
	p0 =	seq.s32 s7, s2  }
0x1e: {  	s7 =	smul.u32 @!p0 $0xF7A, s2;
	p2 =	seq.s32 @!p0 s5, $0x0  }
0x1f: {  	s9 =	smul.u32 $0xF7A, s1;
	s8 =	simm.s32 @!p0 $0x1BF5;
	p2 =	por !p2, p0  }
0x20: {  	[sflag:s8] =	ssyncset.s32 @!p0 $0xFFFFF086;
	s6 =	sadd.s32 @!p0 s3, s7;
	s7 =	simm.s32 @!p0 $0x108  }
0x21: {  	s3 =	sadd.s32 s3, s9;
	s6 =	sadd.s32 @!p0 $0x88, s6;
	s7 =	simm.s32 @p2 $0x1082  }
0x22: {  	[simem:s7], [sflag:s8] =	dma.local @!p0 [hbm:s6], $0xF7A  }
0x23: {  	s9 =	sor.u32 $0xD0000000, s2;
	s6 =	simm.s32 $0x108;
	_ =	swait.ge @!p0 [sflag:s8], $0x0  }
0x24: {  	s3 =	sadd.s32 $0x88, s3;
	s6 =	simm.s32 @!p1 $0x1082;
	[sflag:s4] =	ssyncset.s32 $0xFFFFF086  }
0x25: {  	[simem:s6], [sflag:s4] =	dma.local [hbm:s3], $0xF7A  }
0x26: {  	[smem:$0x3F9D] =	sst s1;
	(tag) =	ssettag s2;
	_ =	strace s9  }
0x27: {  	s1 =	sld [smem:$0x3FAD]  }
0x28: {  	s2 =	sld [smem:$0x3FAE]  }
0x29: {  	s4 =	sld [smem:$0x3FB0]  }
0x2a: {  	p0 =	seq.s32 s5, $0x0;
	s5 =	sld [smem:$0x3FB1]  }
0x2b: {  	s6 =	sld [smem:$0x3FB2]  }
0x2c: {  	s7 =	sld [smem:$0x3FB3]  }
0x2d: {  	s3 =	simm.s32 $0x108;
	s8 =	sld [smem:$0x3FB4]  }
0x2e: {  	s3 =	simm.s32 @!p0 $0x1082;
	s9 =	sld [smem:$0x3FB5]  }
0x2f: {  	lr =	sadd.s32 s0, s3;
	s0 =	sld [smem:$0x3FAC]  }
0x30: {  	s3 =	sld [smem:$0x3FAF]  }
0x31: {  	[smem:$0x3FB8] =	sst s10  }
0x32: {  	s10 =	sld [smem:$0x3FB6];
	_ =	sdelay $0x3  }
0x33: {  	p0 =	seq.s32 s10, $0x1;
	s10 =	sld [smem:$0x3FB8];
	_ =	sdelay $0x3  }
0x34: {  	[smem:$0x3FB8] =	sst s10  }
0x35: {  	s10 =	sld [smem:$0x3FB7];
	_ =	sdelay $0x3  }
0x36: {  	p1 =	seq.s32 s10, $0x1;
	s10 =	sld [smem:$0x3FB8];
	_ =	sdelay $0x3  }
0x37: {  	[smem:$0x3FB8] =	sst s10  }
0x38: {  	s10 =	sld [smem:$0x3FB9]  }
0x39: {  	_ = 	snop;
	(pc) =	sbr.ind lr, $3  }
0x3a: {  	_ = 	snop  }
0x3b: {  	_ = 	snop  }
0x3c: {  	p2 =	seq.s32 s10, $0x1;
	s10 =	sld [smem:$0x3FB8]  }
0x3d: {  	_ =	shalt  }
0x3e: {  	_ =	shalt  }
0x3f: {  	_ =	shalt  }
0x40: {  	_ =	shalt  }
0x41: {  	_ =	shalt  }
0x42: {  	_ =	shalt  }
0x43: {  	_ =	shalt  }
0x44: {  	_ =	shalt  }
0x45: {  	_ =	shalt  }
0x46: {  	_ =	shalt  }
0x47: {  	_ =	shalt  }
0x48: {  	_ =	shalt  }
0x49: {  	_ =	shalt  }
0x4a: {  	_ =	shalt  }
0x4b: {  	_ =	shalt  }
0x4c: {  	_ =	shalt  }
0x4d: {  	_ =	shalt  }
0x4e: {  	_ =	shalt  }
0x4f: {  	_ =	shalt  }
0x50: {  	_ =	shalt  }
0x51: {  	_ =	shalt  }
0x52: {  	_ =	shalt  }
0x53: {  	_ =	shalt  }
0x54: {  	_ =	shalt  }
0x55: {  	_ =	shalt  }
0x56: {  	_ =	shalt  }
0x57: {  	_ =	shalt  }
0x58: {  	_ =	shalt  }
0x59: {  	_ =	shalt  }
0x5a: {  	_ =	shalt  }
0x5b: {  	_ =	shalt  }
0x5c: {  	_ =	shalt  }
0x5d: {  	_ =	shalt  }
0x5e: {  	_ =	shalt  }
0x5f: {  	_ =	shalt  }
0x60: {  	_ =	shalt  }
0x61: {  	_ =	shalt  }
0x62: {  	_ =	shalt  }
0x63: {  	_ =	shalt  }
0x64: {  	_ =	shalt  }
0x65: {  	_ =	shalt  }
0x66: {  	_ =	shalt  }
0x67: {  	_ =	shalt  }
0x68: {  	_ =	shalt  }
0x69: {  	_ =	shalt  }
0x6a: {  	_ =	shalt  }
0x6b: {  	_ =	shalt  }
0x6c: {  	_ =	shalt  }
0x6d: {  	_ =	shalt  }
0x6e: {  	_ =	shalt  }
0x6f: {  	_ =	shalt  }
0x70: {  	_ =	shalt  }
0x71: {  	_ =	shalt  }
0x72: {  	_ =	shalt  }
0x73: {  	_ =	shalt  }
0x74: {  	_ =	shalt  }
0x75: {  	_ =	shalt  }
0x76: {  	_ =	shalt  }
0x77: {  	_ =	shalt  }
0x78: {  	_ =	shalt  }
0x79: {  	_ =	shalt  }
0x7a: {  	_ =	shalt  }
0x7b: {  	_ =	shalt  }
0x7c: {  	_ =	shalt  }
0x7d: {  	_ =	shalt  }
0x7e: {  	_ =	shalt  }
0x7f: {  	_ =	shalt  }
0x80: {  	_ =	shalt  }
0x81: {  	_ =	shalt  }
0x82: {  	_ =	shalt  }
0x83: {  	_ =	shalt  }
0x84: {  	_ =	shalt  }
0x85: {  	_ =	shalt  }
0x86: {  	_ =	shalt  }
0x87: {  	_ =	shalt  }
.Lfunc_end0:
.L_simem_size_0:
called_computation.1_lowered:
.L_overlay_start_0:
0x88: {  	s2 =	sld [smem:$0x3FD9]  }
0x89: {  	s3 =	sld [smem:$0x3FFE];
	_ =	sdelay $0x1  }
0x8a: {  	s1 =	srdreg.scid  }
0x8b: {  	s0 =	sand.u32 $0x1, s1  }
0x8c: {  	s14 =	sshll.u32 s0, $0xA;
	s2 =	sadd.s32 s3, s2  }
0x8d: {  	s2 =	sadd.s32 s2, s14  }
0x8e: {  	[smem:$0x3FC4] =	sst s2  }
0x8f: {  	_ = 	snop  }
0x90: {  	s2 =	sld [smem:$0x3FD0];
	_ =	sdelay $0x2  }
0x91: {  	s15 =	simm.s32 $0xA;
	s4 =	simm.s32 $0x10  }
0x92: {  	[smem:s4], [sflag:s15] =	dma.local [hbm:s2], $0x1  }
0x93: {  	_ =	swait.eq [sflag:s15], $0x1  }
0x94: {  	[sflag:s15] =	ssyncset.done $0x0  }
0x95: {  	[sflag:s15] =	ssyncadd.s32 $0xFFFFFFFF  }
0x96: {  	s16 =	sld [smem:$0x11];
	(tm) =	ssettm $0x1  }
0x97: {  	s17 =	sld [smem:$0x3FFB];
	_ =	sdelay $0x3  }
0x98: {  	_ =	strace s17  }
0x99: {  	s3 =	sld [smem:$0x3FFC];
	_ =	sdelay $0x3  }
0x9a: {  	_ =	strace s3  }
0x9b: {  	s3 =	sld [smem:$0x3FFD];
	_ =	sdelay $0x3  }
0x9c: {  	_ =	strace s3  }
0x9d: {  	_ =	strace $0x8FFFFFFF  }
0x9e: {  	s18 =	sld [smem:$0x3FDB];
	_ =	sdelay $0x1  }
0x9f: {  	s19 =	simm.s32 $_scs_section_size  }
0xa0: {  	s5 =	simm.s32 $_size__tile_overlayer_lowered;
	s6 =	simm.s32 $_tile_overlayer_lowered  }
0xa1: {  	s22 =	simm.s32 $0x1BFF;
	s21 =	sshll.u32 s6, $0x1;
	s3 =	sadd.s32 s19, s18  }
0xa2: {  	s7 =	simm.s32 $0x0;
	s20 =	sshll.u32 s5, $0x1;
	s5 =	sadd.s32 s21, s3  }
0xa3: {  	[timem:s7], [sflag:s22] =	dma.local [hbm:s5], s20  }
0xa4: {  	_ =	swait.ge [sflag:s22], s20  }
0xa5: {  	s4 =	ssub.s32 $0x0, s20;
	[sflag:s22] =	ssyncset.done $0x0  }
0xa6: {  	[sflag:s22] =	ssyncadd.s32 s4;
	_ =	sdelay $0x1  }
0xa7: {  	s23 =	simm.s32 $0x1B8B  }
0xa8: {  	_ =	swait.ge [sflag:s23], $0x1  }
0xa9: {  	[sflag:s23] =	ssyncset.done $0x0  }
0xaa: {  	s25 =	simm.s32 $0x1B8E;
	s24 =	sld [smem:$0x3FFE];
	[sflag:s23] =	ssyncadd.s32 $0xFFFFFFFF  }
0xab: {  	s26 =	simm.s32 $execute0_lowered;
	[smem:$0x3FD2] =	sst s25  }
0xac: {  	s5 =	sshll.u32 s26, $0x1;
	_ =	strace $0x80000049;
	[dreg:$0x1] =	wrdreg $0xFFFFFFFF  }
0xad: {  	s28 =	simm.s32 $_size_execute0_lowered;
	s3 =	sadd.s32 s3, s5;
	[dreg:$0x0] =	wrdreg $0x0  }
0xae: {  	s5 =	sshll.u32 s28, $0x1;
	[dreg:$0x2] =	wrdreg s3  }
0xaf: {  	[dreg:$0x3] =	wrdreg s5  }
0xb0: {  	[dreg:$0x4] =	wrdreg $0xC0  }
0xb1: {  	_ =	task [dreg:s7], $0x5FFFF  }
0xb2: {  	[dreg:$0x1] =	wrdreg $0xFFFFFFFF  }
0xb3: {  	[dreg:$0x0] =	wrdreg $0x60  }
0xb4: {  	[dreg:$0x2] =	wrdreg s24  }
0xb5: {  	[dreg:$0x3] =	wrdreg s16  }
0xb6: {  	[dreg:$0x4] =	wrdreg $0x9  }
0xb7: {  	_ =	task.clear_ibuf [dreg:s7], $0x5FFFF;
	_ =	strace $0x90000049  }
0xb8: {  	s29 =	simm.s32 $0x9;
	_ =	strace $0x8000004B  }
0xb9: {  	_ =	swait.ge [sflag:s29], $0x1  }
0xba: {  	[sflag:s29] =	ssyncadd.s32 $0xFFFFFFFF  }
0xbb: {  	_ =	strace $0x9000004B  }
0xbc: {  	_ =	sfence  }
0xbd: {  	s30 =	sld [smem:$0x0];
	_ =	sdelay $0x2  }
0xbe: {  	s31 =	sshll.u32 s1, $0xD;
	s1 =	sshrl.u32 s1, $0x2  }
0xbf: {  	s3 =	sand.u32 $0x4000, s31;
	s1 =	sadd.s32 s1, s30  }
0xc0: {  	s0 =	sor.u32 s3, s0;
	s1 =	sshll.u32 s1, $0x11  }
0xc1: {  	s0 =	sor.u32 s1, s0  }
0xc2: {  	s0 =	sadd.s32 $0x8F2B, s0  }
0xc3: {  	[sflag:s0] =	ssyncadd.remote.s32 $0x1  }
0xc4: {  	_ =	sfence.sel $0xFFFF  }
0xc5: {  	[dreg:$0x0] =	wrdreg $0xFFFFFFFF;
	(pc) =	sbr.abs _section_cstart, $3  }
0xc6: {  	[dreg:$0x1] =	wrdreg $0xFFFFFFFF  }
0xc7: {  	_ =	task.clear_ibuf [dreg:s7], $0x2FFFF;
	_ =	strace $0x9FFFFFFF  }
0xc8: {  	(tm) =	ssettm $0x7FFFFFFF  }
0xc9: {  	_ =	shalt  }
tec
execute0_lowered:
.L_overlay_start_1:
0x0: {  	(tag) =	ssettag $0x1  }
0x1: {  	s1 =	srdreg.scid;
	s0 =	stileid.u32  }
0x2: {  	s5 =	rddreg [dreg:$0x0];
	s9 =	sand.u32 $0x1, s1;
	s30 =	sshll.u32 s0, $0x1  }
0x3: {  	s10 =	rddreg [dreg:$0x1];
	s11 =	sor.u32 s9, s30  }
0x4: {  	s2 =	simm.s32 $0x0;
	s1 =	rddreg [dreg:$0x2];
	s3 =	sshll.u32 s11, $0x5  }
0x5: {  	[smem:$0x7FF] =	sst s2;
	s3 =	sadd.s32 s3, s5  }
0x6: {  	_ =	strace $0x8000004A;
	s4 =	sadd.s32 $0x101800, s3;
	s3 =	simm.s32 $0x2  }
0x7: {  	[tilespmem:s2], [sflag:$0x2] =	stream.linear.gather [hbm4b:s4+s2], $0x100, $0x38;
	[tilespmem:$0x8100] =	vst v63  }
0x8: {  	s6 =	simm.s32 $0x80;
	_ =	swait.ge [sflag:s3], $0x100  }
0x9: {  	s7 =	simm.s32 $0x100;
	s8 =	simm.s32 $0x1;
	[sflag:s3] =	ssyncset.done $0x0  }
0xa: {  	s12 =	ssub.s32 $0x2, s9;
	s5 =	sadd.s32 $0x1800, s5;
	[sflag:s3] =	ssyncadd.s32 $0xFFFFFF00  }
0xb: {  	[tilespmem:s7], [sflag:$0x1] =	stream.indirect.gather [hbm4b:s5+s6], $0x80, s2, s6, $0xb8;
	[tilespmem:$0x8100] =	vst v63  }
0xc: {  	s13 =	sshrl.u32 s12, $0x1;
	_ =	swait.ge [sflag:s8], $0x4000  }
0xd: {  	s12 =	ssub.s32 s12, s13;
	[sflag:s8] =	ssyncset.done $0x0  }
0xe: {  	s9 =	simm.s32 $0x4100;
	s31 =	smax.u32 s12, $0x1;
	[sflag:s8] =	ssyncadd.s32 $0xFFFFC000  }
0xf: {  	[tilespmem:s9], [sflag:$0x1] =	stream.indirect.gather [hbm4b:s5+s6], $0x80, s6, s6, $0xb8;
	[tilespmem:$0x8100] =	vst v63  }
0x10: {  	p0 =	sne.s32 s31, $0x1;
	_ =	swait.ge [sflag:s8], $0x4000  }
.Ltmp0:
0x11: {  	s11 =	sshll.u32 s11, $0xC;
	[sflag:s8] =	ssyncset.done $0x0;
	(pc) =	sbr.rel @!p0 .LBB2_2-.Ltmp0, $4  }
0x12: {  	s10 =	sadd.s32 s10, s11;
	[sflag:s8] =	ssyncadd.s32 $0xFFFFC000  }
0x13: {  	[hbm4b:s10+s2] =	stream.linear.scatter [tilespmem:s7], [sflag:$0x2], $0x8000, $0x38;
	[tilespmem:$0x8100] =	vst v63  }
0x14: {  	_ =	swait.ge [sflag:s3], $0x8000  }
0x15: {  	s11 =	sadd.s32 $0xFFFFFFFF, s31;
	[sflag:s3] =	ssyncset.done $0x0  }
.LBB2_1:
0x16: {  	p0 =	sne.s32 s11, $0x1;
	s11 =	sadd.s32 $0xFFFFFFFF, s11;
	[sflag:s3] =	ssyncadd.s32 $0xFFFF8000  }
0x17: {  	[tilespmem:s2], [sflag:$0x2] =	stream.linear.gather [hbm4b:s4+s2], $0x100, $0x38;
	[tilespmem:$0x8100] =	vst v63  }
0x18: {  	_ =	swait.ge [sflag:s3], $0x100  }
0x19: {  	[sflag:s3] =	ssyncset.done $0x0  }
0x1a: {  	[sflag:s3] =	ssyncadd.s32 $0xFFFFFF00  }
0x1b: {  	[tilespmem:s7], [sflag:$0x1] =	stream.indirect.gather [hbm4b:s5+s6], $0x80, s2, s6, $0xb8;
	[tilespmem:$0x8100] =	vst v63  }
0x1c: {  	_ =	swait.ge [sflag:s8], $0x4000  }
0x1d: {  	[sflag:s8] =	ssyncset.done $0x0  }
0x1e: {  	[sflag:s8] =	ssyncadd.s32 $0xFFFFC000  }
0x1f: {  	[tilespmem:s9], [sflag:$0x1] =	stream.indirect.gather [hbm4b:s5+s6], $0x80, s6, s6, $0xb8;
	[tilespmem:$0x8100] =	vst v63  }
0x20: {  	_ =	swait.ge [sflag:s8], $0x4000  }
.Ltmp1:
0x21: {  	[sflag:s8] =	ssyncset.done $0x0;
	(pc) =	sbr.rel @p0 .LBB2_1-.Ltmp1, $4  }
0x22: {  	[sflag:s8] =	ssyncadd.s32 $0xFFFFC000  }
0x23: {  	[hbm4b:s10+s2] =	stream.linear.scatter [tilespmem:s7], [sflag:$0x2], $0x8000, $0x38;
	[tilespmem:$0x8100] =	vst v63  }
0x24: {  	_ =	swait.ge [sflag:s3], $0x8000  }
0x25: {  	[sflag:s3] =	ssyncset.done $0x0  }
.LBB2_2:
0x26: {  	[sflag:s3] =	ssyncadd.s32 $0xFFFF8000  }
0x27: {  	_ =	sfence.sel $0x180000  }
0x28: {  	[bflag:$0x0] =	sbarrier.arrive $0xFFFF  }
0x29: {  	p0 =	sne.s32 s0, $0x0;
	_ =	strace $0x9000004A  }
0x2a: {  	s0 =	sadd.s32 @!p0 $0x100000, s1;
	[bflag:$0x2] =	sbarrier.arrive $0xFFFF  }
0x2b: {  	[sflag:s0] =	ssyncadd.tile.s32 @!p0 $0x1;
	_ =	shalt  }
.Lfunc_end2:
_tile_overlayer_lowered:
.L_overlay_start_2:
0x2c: {  	(tag) =	ssettag $0x2  }
0x2d: {  	s0 =	rddreg [dreg:$0x0];
	s2 =	stileid.u32  }
0x2e: {  	s1 =	rddreg [dreg:$0x1];
	p0 =	sne.s32 s2, $0x0  }
0x2f: {  	s3 =	rddreg [dreg:$0x2];
	[bflag:$0x3] =	sbarrier.arrive $0xFFFF;
	s2 =	simm.s32 @!p0 $0x1C02  }
0x30: {  	[timem:s3], [sflag:s2] =	dma.local @!p0 [hbm:s0], s1  }
0x31: {  	s0 =	simm.s32 @!p0 $0x2  }
0x32: {  	_ =	swait.ge @!p0 [sflag:s0], s1  }
0x33: {  	s1 =	ssub.s32 @!p0 $0x0, s1;
	[sflag:s0] =	ssyncset.done @!p0 $0x0  }
0x34: {  	[sflag:s0] =	ssyncadd.s32 @!p0 s1  }
0x35: {  	[bflag:$0x3] =	sbarrier.arrive $0xFFFF  }
0x36: {  	_ =	shalt  }

// kernel: sparse-core-data-format-call.cloned.1.call-start
scs
called_computation_lowered:
.L_overlay_start_0:
0x0: {  	s2 =	sld [smem:$0x3FD9]  }
0x1: {  	s3 =	sld [smem:$0x3FFE];
	_ =	sdelay $0x1  }
0x2: {  	s1 =	srdreg.scid  }
0x3: {  	s0 =	sand.u32 $0x1, s1  }
0x4: {  	s18 =	sshll.u32 s0, $0xA;
	s2 =	sadd.s32 s3, s2  }
0x5: {  	s2 =	sadd.s32 s2, s18  }
0x6: {  	[smem:$0x3FC4] =	sst s2  }
0x7: {  	_ = 	snop  }
0x8: {  	s2 =	sld [smem:$0x3FC8];
	(tm) =	ssettm $0x1  }
0x9: {  	s19 =	sld [smem:$0x3FFB];
	_ =	sdelay $0x3  }
0xa: {  	_ =	strace s19  }
0xb: {  	s3 =	sld [smem:$0x3FFC];
	_ =	sdelay $0x3  }
0xc: {  	_ =	strace s3  }
0xd: {  	s3 =	sld [smem:$0x3FFD];
	_ =	sdelay $0x3  }
0xe: {  	_ =	strace s3  }
0xf: {  	_ =	strace $0x8FFFFFFF  }
0x10: {  	s20 =	sld [smem:$0x3FDB];
	_ =	sdelay $0x1  }
0x11: {  	s4 =	simm.s32 $_scs_section_size  }
0x12: {  	s5 =	simm.s32 $_size__tile_overlayer_lowered;
	s6 =	simm.s32 $_tile_overlayer_lowered  }
0x13: {  	s23 =	simm.s32 $0x1BFF;
	s22 =	sshll.u32 s6, $0x1;
	s3 =	sadd.s32 s4, s20  }
0x14: {  	s7 =	simm.s32 $0x0;
	s21 =	sshll.u32 s5, $0x1;
	s5 =	sadd.s32 s22, s3  }
0x15: {  	[timem:s7], [sflag:s23] =	dma.local [hbm:s5], s21  }
0x16: {  	_ =	swait.ge [sflag:s23], s21  }
0x17: {  	s4 =	ssub.s32 $0x0, s21;
	[sflag:s23] =	ssyncset.done $0x0  }
0x18: {  	[sflag:s23] =	ssyncadd.s32 s4;
	_ =	sdelay $0x1  }
0x19: {  	s24 =	simm.s32 $0x1B8B  }
0x1a: {  	_ =	swait.ge [sflag:s24], $0x1  }
0x1b: {  	[sflag:s24] =	ssyncset.done $0x0  }
0x1c: {  	s26 =	simm.s32 $0x1B8E;
	s25 =	sld [smem:$0x3FFE];
	[sflag:s24] =	ssyncadd.s32 $0xFFFFFFFF  }
0x1d: {  	s27 =	simm.s32 $execute0_lowered;
	[smem:$0x3FD2] =	sst s26  }
0x1e: {  	s5 =	sshll.u32 s27, $0x1;
	_ =	strace $0x80000046;
	[dreg:$0x1] =	wrdreg $0xFFFFFFFF  }
0x1f: {  	s28 =	simm.s32 $_size_execute0_lowered;
	s3 =	sadd.s32 s3, s5;
	[dreg:$0x0] =	wrdreg $0x0  }
0x20: {  	s5 =	sshll.u32 s28, $0x1;
	[dreg:$0x2] =	wrdreg s3  }
0x21: {  	[dreg:$0x3] =	wrdreg s5  }
0x22: {  	[dreg:$0x4] =	wrdreg $0xC0  }
0x23: {  	_ =	task [dreg:s7], $0x5FFFF  }
0x24: {  	[dreg:$0x1] =	wrdreg $0xFFFFFFFF  }
0x25: {  	[dreg:$0x0] =	wrdreg $0x60  }
0x26: {  	[dreg:$0x2] =	wrdreg s2  }
0x27: {  	[dreg:$0x3] =	wrdreg s25  }
0x28: {  	[dreg:$0x4] =	wrdreg $0x9  }
0x29: {  	_ =	task.clear_ibuf [dreg:s7], $0x5FFFF;
	_ =	strace $0x90000046  }
0x2a: {  	s29 =	simm.s32 $0x9;
	_ =	strace $0x80000048  }
0x2b: {  	_ =	swait.ge [sflag:s29], $0x1  }
0x2c: {  	[sflag:s29] =	ssyncadd.s32 $0xFFFFFFFF  }
0x2d: {  	_ =	strace $0x90000048  }
0x2e: {  	_ =	sfence  }
0x2f: {  	s30 =	sld [smem:$0x0];
	_ =	sdelay $0x2  }
0x30: {  	s31 =	sshll.u32 s1, $0xD;
	s1 =	sshrl.u32 s1, $0x2  }
0x31: {  	s3 =	sand.u32 $0x4000, s31;
	s1 =	sadd.s32 s1, s30  }
0x32: {  	s0 =	sor.u32 s3, s0;
	s1 =	sshll.u32 s1, $0x11  }
0x33: {  	s0 =	sor.u32 s1, s0  }
0x34: {  	s0 =	sadd.s32 $0x8F2B, s0  }
0x35: {  	[sflag:s0] =	ssyncadd.remote.s32 $0x1  }
0x36: {  	_ =	sfence.sel $0xFFFF  }
0x37: {  	[dreg:$0x0] =	wrdreg $0xFFFFFFFF;
	(pc) =	sbr.abs _section_cstart, $3  }
0x38: {  	[dreg:$0x1] =	wrdreg $0xFFFFFFFF  }
0x39: {  	_ =	task.clear_ibuf [dreg:s7], $0x2FFFF;
	_ =	strace $0x9FFFFFFF  }
0x3a: {  	(tm) =	ssettm $0x7FFFFFFF  }
0x3b: {  	_ =	shalt  }
tec
execute0_lowered:
.L_overlay_start_1:
0x0: {  	(tag) =	ssettag $0x1  }
0x1: {  	s0 =	stileid.u32  }
0x2: {  	s1 =	srdreg.scid;
	s2 =	rddreg [dreg:$0x0]  }
0x3: {  	s4 =	rddreg [dreg:$0x1];
	s7 =	simm.s32 $0x1;
	s8 =	simm.s32 $0x2  }
0x4: {  	s15 =	simm.s32 $0x0;
	s3 =	sshll.u32 s0, $0x4;
	s1 =	sshll.u32 s1, $0x8  }
0x5: {  	s13 =	simm.s32 $0x0;
	s14 =	simm.s32 $0x0;
	s1 =	sor.u32 s3, s1  }
0x6: {  	s10 =	simm.s32 $0x0;
	s12 =	simm.s32 $0x0;
	s3 =	sand.u32 $0x180, s1  }
0x7: {  	s4 =	sadd.s32 $0x1800, s4;
	s1 =	rddreg [dreg:$0x2];
	s6 =	ssub.s32 $0x2000, s3  }
.Ltmp0:
0x8: {  	_ =	strace $0x80000047;
	s5 =	sand.u32 $0x180, s6;
	(pc) =	sbr.rel .LBB1_1-.Ltmp0, $4  }
0x9: {  	s9 =	smov.u32 s3;
	p0 =	sne.s32 s5, $0x0;
	s5 =	simm.s32 $0x1  }
0xa: {  	s6 =	sshrl.u32 s6, $0x9;
	s7 =	simm.s32 @!p0 $0x0;
	[sflag:s5] =	ssyncpa.u1 $0x0  }
0xb: {  	p0 =	por $0x0, $0x0;
	s6 =	sadd.s32 s7, s6;
	s7 =	sand.u32 $0x7, s0  }
0xc: {  	[sflag:s8] =	ssyncpa.u1 $0x0;
	s8 =	sadd.s32 $0x1, s6;
	s11 =	smov.u32 s7  }
.LBB1_4:
0xd: {  	v5 =	vld [tilespmem:s19+$0xFFFFFFD0];
	[tilespmem:s18+$0x2040 ss:$0x81] =	vst.msk $0xffff, v1  }
0xe: {  	v58 =	vld [tilespmem:s19+$0xFFFFFFE0];
	[tilespmem:s18+$0x2850 ss:$0x81] =	vst.msk $0xffff, v2  }
0xf: {  	s20 =	sshra.s32 s20, $0x2;
	v59 =	vld [tilespmem:s19+$0xFFFFFFF0];
	[tilespmem:s18+$0x3060 ss:$0x81] =	vst.msk $0xffff, v3  }
0x10: {  	v60 =	vld [tilespmem:s19+$0x0];
	[tilespmem:s18+$0x0 ss:$0x81] =	vst.msk $0xffff, v0;
	s17 =	sadd.s32 s20, s17  }
0x11: {  	v61 =	vld [tilespmem:s19+$0x10];
	[tilespmem:s17+$0x3870 ss:$0x81] =	vst.msk $0xffff, v4  }
0x12: {  	v62 =	vld [tilespmem:s19+$0x20];
	s15 =	sshll.u32 s15, $0x7;
	s28 =	sshll.u32 s13, $0x3;
	[tilespmem:s17+$0x810 ss:$0x81] =	vst.msk $0xffff, v5  }
0x13: {  	v63 =	vld [tilespmem:s19+$0xFFFFFFC0];
	s29 =	sand.u32 $0xFFC00, s15;
	s18 =	sand.u32 $0xFFC00, s28;
	[tilespmem:s17+$0x1020 ss:$0x81] =	vst.msk $0xffff, v58  }
0x14: {  	s15 =	sand.u32 $0x380, s15;
	s18 =	sadd.s32 s18, s29;
	[tilespmem:s17+$0x1830 ss:$0x81] =	vst.msk $0xffff, v59  }
0x15: {  	s14 =	sshll.u32 s14, $0x11;
	s30 =	sshrl.u32 s13, $0x3;
	s15 =	sor.u32 s15, s18;
	[tilespmem:s17+$0x2040 ss:$0x81] =	vst.msk $0xffff, v60  }
0x16: {  	s14 =	sadd.s32 s4, s14;
	s18 =	sand.u32 $0xF, s30;
	s15 =	sshrl.u32 s15, $0x3;
	[tilespmem:s17+$0x2850 ss:$0x81] =	vst.msk $0xffff, v61  }
0x17: {  	s14 =	sadd.s32 s18, s14;
	[tilespmem:s17+$0x3060 ss:$0x81] =	vst.msk $0xffff, v62;
	s15 =	sand.u32 $0x1FFF0, s15  }
0x18: {  	s31 =	sand.u32 $0x7, s13;
	[tilespmem:s17+$0x0 ss:$0x81] =	vst.msk $0xffff, v63;
	s14 =	sadd.s32 s15, s14  }
0x19: {  	[hbm4b:s14+s31] =	stream.linear.scatter [tilespmem:s16], [sflag:$0x2], $0x4000, $0x20;
	[tilespmem:$0x10100] =	vst v63  }
.LBB1_5:
0x1a: {  	s16 =	sadd.s32 $0x200, s9  }
0x1b: {  	s13 =	sadd.s32 $0x80, s10;
	s17 =	smov.u32 s10;
	p2 =	sgt.s32 s16, $0x1FFF  }
0x1c: {  	s17 =	smov.u32 @p2 s13  }
0x1d: {  	s19 =	smov.u32 s11;
	s13 =	sadd.s32 $0x8, s11;
	p3 =	sgt.s32 s17, $0x7F  }
0x1e: {  	s19 =	smov.u32 @p3 s13  }
0x1f: {  	s16 =	smov.u32 @p2 s3;
	p2 =	sgt.s32 s19, $0x7  }
0x20: {  	p1 =	slt.u32 s12, $0x2;
	s19 =	smov.u32 @p2 s7;
	p2 =	sne.s32 s12, s8  }
.Ltmp1:
0x21: {  	s18 =	simm.s32 @!p1 $0x2;
	(pc) =	sbr.rel @!p2 .LBB1_6-.Ltmp1, $4  }
0x22: {  	s15 =	smov.u32 s9;
	s14 =	smov.u32 s11;
	_ =	swait.ge @!p1 [sflag:s18], $0x4000  }
0x23: {  	p0 =	por !p0, !p0;
	[sflag:s18] =	ssyncset.done @!p1 $0x0;
	s9 =	smov.u32 s16  }
0x24: {  	s17 =	simm.s32 @p3 $0x0;
	s13 =	smov.u32 s10;
	[sflag:s18] =	ssyncadd.s32 @!p1 $0xFFFFC000  }
0x25: {  	s10 =	smov.u32 s17;
	s12 =	sadd.s32 $0x1, s12;
	s11 =	smov.u32 s19  }
.LBB1_1:
0x26: {  	p1 =	sge.u32 s12, s6;
	s31 =	sadd.s32 $0xFFFFFFFF, s12  }
0x27: {  	s16 =	sxor.u32 @!p1 $0xFFFFFFFF, s12;
	s17 =	sand.u32 @!p1 $0x78, s9;
	s18 =	sshll.u32 @!p1 s10, $0xD  }
0x28: {  	s19 =	sshll.u32 @!p1 s10, $0x7;
	s20 =	sshll.u32 @!p1 s9, $0x3;
	s16 =	sshll.u32 @!p1 s16, $0xE  }
0x29: {  	s18 =	sand.u32 @!p1 $0xF0000, s18;
	s19 =	sand.u32 @!p1 $0x380, s19;
	s16 =	sand.u32 @!p1 $0x4000, s16  }
0x2a: {  	s18 =	sadd.s32 @!p1 s18, s20;
	s20 =	sand.u32 @!p1 $0x1C00, s20;
	s17 =	sor.u32 @!p1 s19, s17  }
0x2b: {  	s19 =	sshll.u32 @!p1 s11, $0x11;
	s17 =	sor.u32 @!p1 s20, s17;
	s18 =	sshrl.u32 @!p1 s18, $0x3  }
0x2c: {  	s19 =	sadd.s32 @!p1 s2, s19;
	s20 =	sand.u32 @!p1 $0x7, s9;
	s18 =	sand.u32 @!p1 $0x1FC00, s18  }
0x2d: {  	s17 =	sshrl.u32 @!p1 s17, $0x3;
	s18 =	sadd.s32 @!p1 s18, s19;
	s19 =	sshll.u32 @!p1 s20, $0x12  }
0x2e: {  	s17 =	sadd.s32 @!p1 s17, s18;
	s18 =	sor.u32 @!p1 $0x400, s19;
	s19 =	simm.s32 @!p1 $0x10000  }
0x2f: {  	[tilespmem:s16], [sflag:$0x1] =	stream.strided.gather @!p1 [hbm4b:s17+s18], $0x4000, s19, s18, $0x38;
	[tilespmem:$0x10100] =	vst v63  }
0x30: {  	p1 =	sge.u32 s31, s6  }
.Ltmp2:
0x31: {  	_ = 	snop;
	(pc) =	sbr.rel @p1 .LBB1_5-.Ltmp2, $1  }
0x32: {  	_ =	sdelay $0x3  }
0x33: {  	s16 =	simm.s32 $0x1  }
0x34: {  	_ =	swait.ge [sflag:s5], $0x4000;
	s16 =	simm.s32 @!p0 $0x0  }
0x35: {  	[sflag:s5] =	ssyncset.done $0x0;
	s17 =	sshll.u32 s16, $0xE  }
0x36: {  	[sflag:s5] =	ssyncadd.s32 $0xFFFFC000;
	s19 =	sor.u32 $0x40, s17  }
0x37: {  	s16 =	smul.u32 $0x10200, s16;
	v0 =	vld [tilespmem:s19+$0x30]  }
0x38: {  	v3 =	vld [tilespmem:s19+$0xFFFFFFD0]  }
0x39: {  	s16 =	sshrl.u32 s16, $0x2;
	v4 =	vld [tilespmem:s19+$0xFFFFFFE0]  }
0x3a: {  	v5 =	vld [tilespmem:s19+$0xFFFFFFF0];
	s17 =	sor.u32 $0x8000, s16  }
0x3b: {  	s31 =	sand.u32 $0x1, s12;
	v1 =	vld [tilespmem:s19+$0x0];
	s18 =	sadd.s32 $0x0, s17  }
0x3c: {  	v2 =	vld [tilespmem:s19+$0x10];
	s16 =	smul.u32 $0x10200, s31;
	[tilespmem:s18+$0x3870 ss:$0x81] =	vst.msk $0xffff, v0  }
0x3d: {  	[tilespmem:s18+$0x810 ss:$0x81] =	vst.msk $0xffff, v3;
	v3 =	vld [tilespmem:s19+$0x20]  }
0x3e: {  	s16 =	sshrl.u32 s16, $0x2;
	v0 =	vld [tilespmem:s19+$0xFFFFFFC0];
	[tilespmem:s18+$0x1020 ss:$0x81] =	vst.msk $0xffff, v4;
	s19 =	sadd.s32 $0x80, s19  }
0x3f: {  	s20 =	simm.s32 $0x4;
	s21 =	simm.s32 $0x8;
	s16 =	sor.u32 $0x8000, s16;
	[tilespmem:s18+$0x1830 ss:$0x81] =	vst.msk $0xffff, v5;
	v4 =	vld [tilespmem:s19+$0x30]  }
.LBB1_3:
0x40: {  	p1 =	sne.s32 s21, $0x1FC;
	v5 =	vld [tilespmem:s19+$0xFFFFFFD0];
	[tilespmem:s18+$0x2040 ss:$0x81] =	vst.msk $0xffff, v1  }
0x41: {  	v6 =	vld [tilespmem:s19+$0xFFFFFFE0];
	[tilespmem:s18+$0x2850 ss:$0x81] =	vst.msk $0xffff, v2  }
0x42: {  	s22 =	sshra.s32 s20, $0x2;
	s20 =	smov.u32 s21;
	v7 =	vld [tilespmem:s19+$0xFFFFFFF0];
	[tilespmem:s18+$0x3060 ss:$0x81] =	vst.msk $0xffff, v3  }
.Ltmp3:
0x43: {  	v1 =	vld [tilespmem:s19+$0x0];
	[tilespmem:s18+$0x0 ss:$0x81] =	vst.msk $0xffff, v0;
	s18 =	sadd.s32 s22, s17;
	(pc) =	sbr.rel @p1 .LBB1_3-.Ltmp3, $4  }
0x44: {  	v2 =	vld [tilespmem:s19+$0x10];
	[tilespmem:s18+$0x3870 ss:$0x81] =	vst.msk $0xffff, v4  }
0x45: {  	[tilespmem:s18+$0x810 ss:$0x81] =	vst.msk $0xffff, v5;
	v3 =	vld [tilespmem:s19+$0x20]  }
0x46: {  	v0 =	vld [tilespmem:s19+$0xFFFFFFC0];
	[tilespmem:s18+$0x1020 ss:$0x81] =	vst.msk $0xffff, v6;
	s19 =	sadd.s32 $0x80, s19  }
0x47: {  	s21 =	sadd.s32 $0x4, s21;
	v4 =	vld [tilespmem:s19+$0x30];
	[tilespmem:s18+$0x1830 ss:$0x81] =	vst.msk $0xffff, v7  }
.Ltmp4:
0x48: {  	_ = 	snop;
	(pc) =	sbr.rel .LBB1_4-.Ltmp4, $1  }
0x49: {  	_ =	sdelay $0x3  }
.LBB1_6:
0x4a: {  	_ =	sfence.sel $0x180000  }
0x4b: {  	s2 =	simm.s32 $0x1;
	[bflag:$0x0] =	sbarrier.arrive $0xFFFF  }
0x4c: {  	s31 =	simm.s32 $0x2;
	[sflag:s2] =	ssyncpa.u1 $0x1  }
0x4d: {  	[sflag:s31] =	ssyncpa.u1 $0x1  }
0x4e: {  	p0 =	sne.s32 s0, $0x0;
	_ =	strace $0x90000047  }
0x4f: {  	s0 =	sadd.s32 @!p0 $0x100000, s1;
	[bflag:$0x2] =	sbarrier.arrive $0xFFFF  }
0x50: {  	[sflag:s0] =	ssyncadd.tile.s32 @!p0 $0x1;
	_ =	shalt  }
.Lfunc_end1:
_tile_overlayer_lowered:
.L_overlay_start_2:
0x51: {  	(tag) =	ssettag $0x2  }
0x52: {  	s0 =	rddreg [dreg:$0x0];
	s2 =	stileid.u32  }
0x53: {  	s1 =	rddreg [dreg:$0x1];
	p0 =	sne.s32 s2, $0x0  }
0x54: {  	s3 =	rddreg [dreg:$0x2];
	[bflag:$0x3] =	sbarrier.arrive $0xFFFF;
	s2 =	simm.s32 @!p0 $0x1C01  }
0x55: {  	[timem:s3], [sflag:s2] =	dma.local @!p0 [hbm:s0], s1  }
0x56: {  	s0 =	simm.s32 @!p0 $0x1  }
0x57: {  	_ =	swait.ge @!p0 [sflag:s0], s1  }
0x58: {  	s1 =	ssub.s32 @!p0 $0x0, s1;
	[sflag:s0] =	ssyncset.done @!p0 $0x0  }
0x59: {  	[sflag:s0] =	ssyncadd.s32 @!p0 s1  }
0x5a: {  	[bflag:$0x3] =	sbarrier.arrive $0xFFFF  }
0x5b: {  	_ =	shalt  }

</sc_bundles>
